<compile_context>
chip_gen: v7x
topology: tpu7x:2x2x1
jax: 0.10.2.dev20260603
libtpu: 0.0.44.dev20260713+nightly
codegen_flags: <defaults>
</compile_context>

<pallas_src>
import jax
import jax.numpy as jnp
import numpy as np
from jax import lax
from jax.experimental import pallas as pl
from jax.experimental.pallas import tpu as pltpu
from jax.experimental.pallas import tpu_sc as plsc

TOPK = 64
ROW_LEN = 32768
ROWS = 1024
NVREG = ROW_LEN // 16
ROWS_PER_W = ROWS // 32
MASK7F = np.int32(0x7FFFFFFF)
KEY_MIN = np.int32(-0x80000000)
MARGIN_ROW = np.int32(0x400000)
MARGIN_BOOT = np.int32(0x800000)
KEY_NEG_INF = np.int32(-2139095041)
UA = 16
UB = 4


def _key(x):
    b = plsc.bitcast(x, jnp.int32)
    return jnp.where(b < 0, b ^ MASK7F, b)


def _unkey(k):
    b = jnp.where(k < 0, k ^ MASK7F, k)
    return plsc.bitcast(b, jnp.float32)


def _bc(s, n=16):
    return lax.broadcast(s, (n,))


def _sc_topk_body(x_hbm, vals_hbm, idx_hbm, row_v, cand_v, candk_v,
                  wink_v, wini_v, outi_v, outv_v, dma_sem):
    wid = lax.axis_index("s") * 2 + lax.axis_index("c")
    lane = lax.iota(jnp.int32, 16)
    ones = jnp.ones((16,), jnp.int32)
    zeros16 = jnp.zeros((16,), jnp.int32)
    row0 = wid * ROWS_PER_W

    def row_copy(row):
        return pltpu.make_async_copy(x_hbm.at[row], row_v, dma_sem)

    def count_cmp(thresh, n_grp, strict):
        ts = _bc(thresh)

        @plsc.parallel_loop(0, n_grp * UB, unroll=UB, carry=zeros16)
        def cb(g, acc):
            k = candk_v[pl.ds(g * 16, 16)]
            m = (k > ts) if strict else (k >= ts)
            return acc + jnp.where(m, ones, zeros16)

        return jnp.sum(cb)

    def do_row(r, t_pred):
        row = row0 + r
        row_copy(row).wait()

        def cc(c):
            return c[0] < TOPK

        def cbody(c):
            _, t_try = c
            tf = _unkey(_bc(jnp.maximum(t_try, KEY_NEG_INF)))

            @plsc.parallel_loop(0, NVREG, unroll=UA, carry=zeros16)
            def pb(j, off_s):
                x = row_v[pl.ds(j * 16, 16)]
                m = x >= tf
                mi = jnp.where(m, ones, zeros16)
                pos = plsc.cumsum(mi) - 1 + off_s
                plsc.store_scatter(cand_v, [pos], j * 16 + lane, mask=m)
                return off_s + plsc.all_reduce_population_count(m)

            n = jnp.max(pb)
            return n, jnp.where(n < TOPK, jnp.int32(KEY_MIN), t_try)

        cand_n, _ = lax.while_loop(cc, cbody, (jnp.int32(0), t_pred))

        n_grp = (cand_n + (16 * UB - 1)) // (16 * UB)

        for u in range(UB):
            plsc.store_scatter(cand_v, [_bc(cand_n) + lane + 16 * u], zeros16)

        @plsc.parallel_loop(0, n_grp * UB, unroll=UB, carry=jnp.int32(0))
        def kf(v, acc):
            idx = cand_v[pl.ds(v * 16, 16)]
            b = plsc.bitcast(plsc.load_gather(row_v, [idx]), jnp.int32)
            candk_v[pl.ds(v * 16, 16)] = jnp.where(b < 0, b ^ MASK7F, b)
            return acc

        nxt = jnp.where(r < ROWS_PER_W - 1, row + 1, row0)
        row_copy(nxt).start()

        for u in range(UB):
            plsc.store_scatter(
                candk_v, [_bc(cand_n) + lane + 16 * u], _bc(KEY_MIN))

        def bsearch(i, t):
            bit = jnp.int32(1) << (jnp.int32(31) - i)
            tt = t + bit
            c = count_cmp(tt, n_grp, False)
            return jnp.where(c >= TOPK, tt, t)

        kstar = lax.fori_loop(0, 32, bsearch, jnp.int32(KEY_MIN))
        c_above = count_cmp(kstar, n_grp, True)
        k_eq = TOPK - c_above

        ks_s = _bc(kstar)
        cns = _bc(cand_n)
        nvr = (cand_n + 15) // 16
        k_eq_s = _bc(k_eq)

        @plsc.parallel_loop(0, nvr, carry=(zeros16, zeros16))
        def wc(v, carry):
            woff_s, eq_s = carry
            idxs = cand_v[pl.ds(v * 16, 16)]
            k = candk_v[pl.ds(v * 16, 16)]
            valid = (v * 16 + lane) < cns
            mA = (k > ks_s) & valid
            mB = (k == ks_s) & valid
            mBi = jnp.where(mB, ones, zeros16)
            csB = plsc.cumsum(mBi)
            mBsel = mB & ((csB + eq_s) <= k_eq_s)
            win = mA | mBsel
            wi = jnp.where(win, ones, zeros16)
            pos = plsc.cumsum(wi) - 1 + woff_s
            plsc.store_scatter(wini_v, [pos], idxs, mask=win)
            plsc.store_scatter(wink_v, [pos], k, mask=win)
            return (woff_s + plsc.all_reduce_population_count(win),
                    eq_s + plsc.all_reduce_population_count(mB))

        kv = tuple(wink_v[pl.ds(q * 16, 16)] for q in range(4))
        iv = tuple(wini_v[pl.ds(q * 16, 16)] for q in range(4))
        ok = (zeros16,) * 4
        oi = (zeros16,) * 4

        def ex(i, carry):
            kv, iv, ok, oi = carry
            mv = jnp.maximum(jnp.maximum(kv[0], kv[1]),
                             jnp.maximum(kv[2], kv[3]))
            mk = jnp.max(mv)
            mks = _bc(mk)
            big = _bc(jnp.int32(ROW_LEN))
            cands = [jnp.where(kv[q] == mks, iv[q], big) for q in range(4)]
            mi = jnp.min(jnp.minimum(jnp.minimum(cands[0], cands[1]),
                                     jnp.minimum(cands[2], cands[3])))
            mis = _bc(mi)
            i_s = _bc(i)
            slot = tuple((lane + 16 * q) == i_s for q in range(4))
            ok = tuple(jnp.where(slot[q], mks, ok[q]) for q in range(4))
            oi = tuple(jnp.where(slot[q], mis, oi[q]) for q in range(4))
            kv = tuple(
                jnp.where((kv[q] == mks) & (iv[q] == mis), _bc(KEY_MIN), kv[q])
                for q in range(4))
            return kv, iv, ok, oi

        _, _, ok, oi = lax.fori_loop(0, TOPK, ex, (kv, iv, ok, oi))

        for q in range(4):
            outv_v[pl.ds(q * 16, 16)] = _unkey(ok[q])
            outi_v[pl.ds(q * 16, 16)] = oi[q]
        pltpu.sync_copy(outv_v, vals_hbm.at[row])
        pltpu.sync_copy(outi_v, idx_hbm.at[row])

        return jnp.where(kstar < KEY_MIN + MARGIN_ROW,
                         jnp.int32(KEY_MIN), kstar - MARGIN_ROW)

    row_copy(row0).start()
    row_copy(row0).wait()

    @plsc.parallel_loop(0, NVREG, unroll=UA, carry=_bc(jnp.int32(KEY_MIN)))
    def mx(j, m):
        return jnp.maximum(m, _key(row_v[pl.ds(j * 16, 16)]))

    maxk = jnp.max(mx)
    t0 = jnp.where(maxk < KEY_MIN + MARGIN_BOOT,
                   jnp.int32(KEY_MIN), maxk - MARGIN_BOOT)
    row_copy(row0).start()

    lax.fori_loop(0, ROWS_PER_W, do_row, t0)
    row_copy(row0).wait()


@jax.jit
def _sc_topk(x_flat):
    f = pl.kernel(
        _sc_topk_body,
        out_type=[
            jax.ShapeDtypeStruct((ROWS, TOPK), jnp.float32),
            jax.ShapeDtypeStruct((ROWS, TOPK), jnp.int32),
        ],
        mesh=plsc.VectorSubcoreMesh(core_axis_name="c", subcore_axis_name="s",
                                    num_cores=2, num_subcores=16),
        scratch_types=[
            pltpu.VMEM((ROW_LEN,), jnp.float32),
            pltpu.VMEM((ROW_LEN + 16 * UB,), jnp.int32),
            pltpu.VMEM((ROW_LEN + 16 * UB,), jnp.int32),
            pltpu.VMEM((TOPK,), jnp.int32),
            pltpu.VMEM((TOPK,), jnp.int32),
            pltpu.VMEM((TOPK,), jnp.int32),
            pltpu.VMEM((TOPK,), jnp.float32),
            pltpu.SemaphoreType.DMA,
        ],
        compiler_params=pltpu.CompilerParams(needs_layout_passes=False),
    )
    return f(x_flat)


def kernel(pool_score):
    b0, b1, n = pool_score.shape
    x2 = pool_score.reshape(b0 * b1, n)
    vals, idx = _sc_topk(x2)
    return (vals.reshape(b0, b1, TOPK), idx.reshape(b0, b1, TOPK))

# --- scband reference (transcript-rebuilt; emitter-appended) ---
"""Pipeline reference for scband-box-top-kpool-69741678952495 (READ-ONLY COPY).

The authoritative reference and input builder live on the scoring server;
editing this copy changes nothing except your own understanding.
"""

import jax, jax.numpy as jnp
import numpy as np

TOP_K = 64

def setup_inputs(seed: int = 0) -> dict:
    key = jax.random.key(seed)
    pool_score = jax.random.normal(key, (32, 32, 32768), dtype=jnp.float32)
    return {"pool_score": pool_score}

def reference(pool_score):
    # torch.topk(pool_score, k=TOP_K, dim=2) -> (values, indices)
    # dim=2 is the last axis of the 3D input, so jax.lax.top_k applies directly.
    values, indices = jax.lax.top_k(pool_score, TOP_K)
    return (values, indices)

if __name__ == "__main__":
    import jax
    _d = setup_inputs()
    print(jax.jit(kernel)(*tuple(_d.values())))

</pallas_src>

<mosaic_0001>
#map = affine_map<(d0, d1) -> (0, 0)>
module attributes {stable_mosaic.version = 14 : i64} {
  func.func @_sc_topk_body(%arg0: i32, %arg1: i32, %arg2: memref<1024x32768xf32, #tpu.memory_space<hbm>>, %arg3: memref<1024x64xf32, #tpu.memory_space<hbm>>, %arg4: memref<1024x64xi32, #tpu.memory_space<hbm>>, %arg5: memref<32768xf32, #tpu.memory_space<vmem>>, %arg6: memref<32832xi32, #tpu.memory_space<vmem>>, %arg7: memref<32832xi32, #tpu.memory_space<vmem>>, %arg8: memref<64xi32, #tpu.memory_space<vmem>>, %arg9: memref<64xi32, #tpu.memory_space<vmem>>, %arg10: memref<64xi32, #tpu.memory_space<vmem>>, %arg11: memref<64xf32, #tpu.memory_space<vmem>>, %arg12: memref<!tpu.dma_semaphore, #tpu.memory_space<semaphore_mem>>) attributes {dimension_semantics = [#tpu.dimension_semantics<core_parallel>, #tpu.dimension_semantics<subcore_parallel>], iteration_bounds = array<i64: 2, 16>, scalar_prefetch = 0 : i64, scratch_operands = 8 : i64, tpu.core_type = #tpu.core_type<sc_vector_subcore>, window_params = [{transform_indices = #map}, {transform_indices = #map}, {transform_indices = #map}]} {
    %mul3A = arith.constant 2 : i32
    %mul3A_0 = arith.muli %arg1, %mul3A : i32
    %add3A = arith.addi %mul3A_0, %arg0 : i32
    %iota3A = tpu.iota {dimensions = array<i32: 0>} : vector<16xi32>
    %broadcast_in_dim3A = arith.constant 1 : i32
    %broadcast_in_dim3A_1 = vector.broadcast %broadcast_in_dim3A : i32 to vector<16xi32>
    %broadcast_in_dim3A_2 = arith.constant 0 : i32
    %broadcast_in_dim3A_3 = vector.broadcast %broadcast_in_dim3A_2 : i32 to vector<16xi32>
    %mul3A_4 = arith.constant 32 : i32
    %mul3A_5 = arith.muli %add3A, %mul3A_4 : i32
    %dma_start3A = arith.constant 0 : i32
    %dma_start3A_6 = tpu.memref_slice %arg2[%mul3A_5, %dma_start3A] : memref<1024x32768xf32, #tpu.memory_space<hbm>> -> memref<1x32768xf32, #tpu.memory_space<hbm>>
    %dma_start3A_7 = tpu.memref_squeeze %dma_start3A_6 : memref<1x32768xf32, #tpu.memory_space<hbm>> -> memref<32768xf32, #tpu.memory_space<hbm>>
    %dma_start3A_8 = arith.constant 0 : i32
    %dma_start3A_9 = tpu.memref_slice %arg2[%mul3A_5, %dma_start3A_8] : memref<1024x32768xf32, #tpu.memory_space<hbm>> -> memref<1x32768xf32, #tpu.memory_space<hbm>>
    %dma_start3A_10 = tpu.memref_squeeze %dma_start3A_9 : memref<1x32768xf32, #tpu.memory_space<hbm>> -> memref<32768xf32, #tpu.memory_space<hbm>>
    tpu.enqueue_dma source(%dma_start3A_10 : memref<32768xf32, #tpu.memory_space<hbm>>) target(%arg5 : memref<32768xf32, #tpu.memory_space<vmem>>) target_semaphore(%arg12 : memref<!tpu.dma_semaphore, #tpu.memory_space<semaphore_mem>>)
    %dma_wait3A = arith.constant 0 : i32
    %dma_wait3A_11 = tpu.memref_slice %arg2[%mul3A_5, %dma_wait3A] : memref<1024x32768xf32, #tpu.memory_space<hbm>> -> memref<1x32768xf32, #tpu.memory_space<hbm>>
    %dma_wait3A_12 = tpu.memref_squeeze %dma_wait3A_11 : memref<1x32768xf32, #tpu.memory_space<hbm>> -> memref<32768xf32, #tpu.memory_space<hbm>>
    %dma_wait3A_13 = arith.constant 0 : i32
    %dma_wait3A_14 = tpu.memref_slice %arg2[%mul3A_5, %dma_wait3A_13] : memref<1024x32768xf32, #tpu.memory_space<hbm>> -> memref<1x32768xf32, #tpu.memory_space<hbm>>
    %dma_wait3A_15 = tpu.memref_squeeze %dma_wait3A_14 : memref<1x32768xf32, #tpu.memory_space<hbm>> -> memref<32768xf32, #tpu.memory_space<hbm>>
    tpu.wait_dma2 semaphore(%arg12 : memref<!tpu.dma_semaphore, #tpu.memory_space<semaphore_mem>>) src(%dma_wait3A_15 : memref<32768xf32, #tpu.memory_space<hbm>>) dst(%arg5 : memref<32768xf32, #tpu.memory_space<vmem>>)
    %broadcast_in_dim3A_16 = arith.constant -2147483648 : i32
    %broadcast_in_dim3A_17 = vector.broadcast %broadcast_in_dim3A_16 : i32 to vector<16xi32>
    %parallel_loop3A = arith.constant 0 : i32
    %parallel_loop3A_18 = arith.constant 2048 : i32
    %parallel_loop3A_19 = arith.constant 1 : i32
    %parallel_loop3A_20 = scf.for %parallel_loop3A_47 = %parallel_loop3A to %parallel_loop3A_18 step %parallel_loop3A_19 iter_args(%parallel_loop3A_48 = %broadcast_in_dim3A_17) -> (vector<16xi32>)  : i32 {
      %parallel_loop3A_49 = arith.constant 16 : i32
      %parallel_loop3A_50 = arith.muli %parallel_loop3A_47, %parallel_loop3A_49 : i32
      %parallel_loop3A_51 = arith.index_cast %parallel_loop3A_50 : i32 to index
      %parallel_loop3A_52 = tpu.vector_load %arg5[%parallel_loop3A_51] {strides = array<i32>} : memref<32768xf32, #tpu.memory_space<vmem>>, vector<16xf32>,
      %parallel_loop3A_53 = vector.bitcast %parallel_loop3A_52 : vector<16xf32> to vector<16xi32>
      %parallel_loop3A_54 = arith.constant 0 : i32
      %parallel_loop3A_55 = vector.broadcast %parallel_loop3A_54 : i32 to vector<16xi32>
      %parallel_loop3A_56 = arith.cmpi slt, %parallel_loop3A_53, %parallel_loop3A_55 : vector<16xi32>
      %parallel_loop3A_57 = arith.constant 2147483647 : i32
      %parallel_loop3A_58 = vector.broadcast %parallel_loop3A_57 : i32 to vector<16xi32>
      %parallel_loop3A_59 = arith.xori %parallel_loop3A_53, %parallel_loop3A_58 : vector<16xi32>
      %parallel_loop3A_60 = arith.select %parallel_loop3A_56, %parallel_loop3A_59, %parallel_loop3A_53 : vector<16xi1>, vector<16xi32>
      %parallel_loop3A_61 = arith.maxsi %parallel_loop3A_48, %parallel_loop3A_60 : vector<16xi32>
      scf.yield %parallel_loop3A_61 : vector<16xi32>
    } {sc.loop_unroll_factor = 16 : i64, sc.parallel_access}
    %reduce_max3A = arith.constant true
    %reduce_max3A_21 = vector.broadcast %reduce_max3A : i1 to vector<16xi1>
    %reduce_max3A_22 = arith.constant -2147483648 : i32
    %reduce_max3A_23 = vector.broadcast %reduce_max3A_22 : i32 to vector<16xi32>
    %reduce_max3A_24 = arith.xori %parallel_loop3A_20, %reduce_max3A_23 : vector<16xi32>
    %reduce_max3A_25 = tpu.scan <max>, %reduce_max3A_24 masked %reduce_max3A_21 : vector<16xi32>, vector<16xi1> -> vector<16xi32>
    %reduce_max3A_26 = arith.xori %reduce_max3A_25, %reduce_max3A_23 : vector<16xi32>
    %reduce_max3A_27 = vector.extract %reduce_max3A_26[15] : i32 from vector<16xi32>
    %lt3A = arith.constant -2139095040 : i32
    %lt3A_28 = arith.cmpi slt, %reduce_max3A_27, %lt3A : i32
    %sub3A = arith.constant 8388608 : i32
    %sub3A_29 = arith.subi %reduce_max3A_27, %sub3A : i32
    %jit3A = arith.constant -2147483648 : i32
    %select_n3A = arith.select %lt3A_28, %jit3A, %sub3A_29 : i32
    %dma_start3A_30 = arith.constant 0 : i32
    %dma_start3A_31 = tpu.memref_slice %arg2[%mul3A_5, %dma_start3A_30] : memref<1024x32768xf32, #tpu.memory_space<hbm>> -> memref<1x32768xf32, #tpu.memory_space<hbm>>
    %dma_start3A_32 = tpu.memref_squeeze %dma_start3A_31 : memref<1x32768xf32, #tpu.memory_space<hbm>> -> memref<32768xf32, #tpu.memory_space<hbm>>
    %dma_start3A_33 = arith.constant 0 : i32
    %dma_start3A_34 = tpu.memref_slice %arg2[%mul3A_5, %dma_start3A_33] : memref<1024x32768xf32, #tpu.memory_space<hbm>> -> memref<1x32768xf32, #tpu.memory_space<hbm>>
    %dma_start3A_35 = tpu.memref_squeeze %dma_start3A_34 : memref<1x32768xf32, #tpu.memory_space<hbm>> -> memref<32768xf32, #tpu.memory_space<hbm>>
    tpu.enqueue_dma source(%dma_start3A_35 : memref<32768xf32, #tpu.memory_space<hbm>>) target(%arg5 : memref<32768xf32, #tpu.memory_space<vmem>>) target_semaphore(%arg12 : memref<!tpu.dma_semaphore, #tpu.memory_space<semaphore_mem>>)
    %scan3A = arith.constant 0 : i32
    %scan3A_36 = arith.constant 32 : i32
    %scan3A_37 = arith.addi %scan3A, %scan3A_36 : i32
    %scan3A_38 = arith.constant 1 : i32
    %scan3A_39 = scf.for %scan3A_47 = %scan3A to %scan3A_37 step %scan3A_38 iter_args(%scan3A_48 = %select_n3A) -> (i32)  : i32 {
      %add3A_49 = arith.addi %mul3A_5, %scan3A_47 : i32
      %dma_wait3A_50 = arith.constant 0 : i32
      %dma_wait3A_51 = tpu.memref_slice %arg2[%add3A_49, %dma_wait3A_50] : memref<1024x32768xf32, #tpu.memory_space<hbm>> -> memref<1x32768xf32, #tpu.memory_space<hbm>>
      %dma_wait3A_52 = tpu.memref_squeeze %dma_wait3A_51 : memref<1x32768xf32, #tpu.memory_space<hbm>> -> memref<32768xf32, #tpu.memory_space<hbm>>
      %dma_wait3A_53 = arith.constant 0 : i32
      %dma_wait3A_54 = tpu.memref_slice %arg2[%add3A_49, %dma_wait3A_53] : memref<1024x32768xf32, #tpu.memory_space<hbm>> -> memref<1x32768xf32, #tpu.memory_space<hbm>>
      %dma_wait3A_55 = tpu.memref_squeeze %dma_wait3A_54 : memref<1x32768xf32, #tpu.memory_space<hbm>> -> memref<32768xf32, #tpu.memory_space<hbm>>
      tpu.wait_dma2 semaphore(%arg12 : memref<!tpu.dma_semaphore, #tpu.memory_space<semaphore_mem>>) src(%dma_wait3A_55 : memref<32768xf32, #tpu.memory_space<hbm>>) dst(%arg5 : memref<32768xf32, #tpu.memory_space<vmem>>)
      %while3A = arith.constant 0 : i32
      %while3A_56:2 = scf.while (%while3A_265 = %while3A, %while3A_266 = %scan3A_48) : (i32, i32) -> (i32, i32) {
        %lt3A_267 = arith.constant 64 : i32
        %lt3A_268 = arith.cmpi slt, %while3A_265, %lt3A_267 : i32
        scf.condition(%lt3A_268) %while3A_265, %while3A_266 : i32, i32
      } do {
      ^bb0(%while3A_265: i32, %while3A_266: i32):
        %max3A = arith.constant -2139095041 : i32
        %max3A_267 = arith.maxsi %while3A_266, %max3A : i32
        %broadcast_in_dim3A_268 = vector.broadcast %max3A_267 : i32 to vector<16xi32>
        %lt3A_269 = arith.constant 0 : i32
        %lt3A_270 = vector.broadcast %lt3A_269 : i32 to vector<16xi32>
        %lt3A_271 = arith.cmpi slt, %broadcast_in_dim3A_268, %lt3A_270 : vector<16xi32>
        %xor3A_272 = arith.constant 2147483647 : i32
        %xor3A_273 = vector.broadcast %xor3A_272 : i32 to vector<16xi32>
        %xor3A_274 = arith.xori %broadcast_in_dim3A_268, %xor3A_273 : vector<16xi32>
        %select_n3A_275 = arith.select %lt3A_271, %xor3A_274, %broadcast_in_dim3A_268 : vector<16xi1>, vector<16xi32>
        %bitcast3A_276 = vector.bitcast %select_n3A_275 : vector<16xi32> to vector<16xf32>
        %parallel_loop3A_277 = arith.constant 0 : i32
        %parallel_loop3A_278 = arith.constant 2048 : i32
        %parallel_loop3A_279 = arith.constant 1 : i32
        %parallel_loop3A_280 = scf.for %parallel_loop3A_293 = %parallel_loop3A_277 to %parallel_loop3A_278 step %parallel_loop3A_279 iter_args(%parallel_loop3A_294 = %broadcast_in_dim3A_3) -> (vector<16xi32>)  : i32 {
          %parallel_loop3A_295 = arith.constant 16 : i32
          %parallel_loop3A_296 = arith.muli %parallel_loop3A_293, %parallel_loop3A_295 : i32
          %parallel_loop3A_297 = arith.index_cast %parallel_loop3A_296 : i32 to index
          %parallel_loop3A_298 = tpu.vector_load %arg5[%parallel_loop3A_297] {strides = array<i32>} : memref<32768xf32, #tpu.memory_space<vmem>>, vector<16xf32>,
          %parallel_loop3A_299 = arith.cmpf oge, %parallel_loop3A_298, %bitcast3A_276 : vector<16xf32>
          %parallel_loop3A_300 = arith.select %parallel_loop3A_299, %broadcast_in_dim3A_1, %broadcast_in_dim3A_3 : vector<16xi1>, vector<16xi32>
          %parallel_loop3A_301 = arith.constant true
          %parallel_loop3A_302 = vector.broadcast %parallel_loop3A_301 : i1 to vector<16xi1>
          %parallel_loop3A_303 = tpu.scan <sum>, %parallel_loop3A_300 masked %parallel_loop3A_302 : vector<16xi32>, vector<16xi1> -> vector<16xi32>
          %parallel_loop3A_304 = arith.constant 1 : i32
          %parallel_loop3A_305 = vector.broadcast %parallel_loop3A_304 : i32 to vector<16xi32>
          %parallel_loop3A_306 = arith.subi %parallel_loop3A_303, %parallel_loop3A_305 : vector<16xi32>
          %parallel_loop3A_307 = arith.addi %parallel_loop3A_306, %parallel_loop3A_294 : vector<16xi32>
          %parallel_loop3A_308 = arith.constant 16 : i32
          %parallel_loop3A_309 = arith.muli %parallel_loop3A_293, %parallel_loop3A_308 : i32
          %parallel_loop3A_310 = vector.broadcast %parallel_loop3A_309 : i32 to vector<16xi32>
          %parallel_loop3A_311 = arith.addi %parallel_loop3A_310, %iota3A : vector<16xi32>
          tpu.vector_store_idx %arg6[%parallel_loop3A_307], %parallel_loop3A_311 masked %parallel_loop3A_299 : memref<32832xi32, #tpu.memory_space<vmem>>[vector<16xi32>], vector<16xi32>, vector<16xi1>
          %parallel_loop3A_312 = tpu.all_reduce %parallel_loop3A_299 {dim = 0 : i64, kind = #tpu.reduction_kind<sum>} : vector<16xi1> -> vector<16xi32>
          %parallel_loop3A_313 = arith.addi %parallel_loop3A_294, %parallel_loop3A_312 : vector<16xi32>
          scf.yield %parallel_loop3A_313 : vector<16xi32>
        } {sc.loop_unroll_factor = 16 : i64, sc.parallel_access}
        %reduce_max3A_281 = arith.constant true
        %reduce_max3A_282 = vector.broadcast %reduce_max3A_281 : i1 to vector<16xi1>
        %reduce_max3A_283 = arith.constant -2147483648 : i32
        %reduce_max3A_284 = vector.broadcast %reduce_max3A_283 : i32 to vector<16xi32>
        %reduce_max3A_285 = arith.xori %parallel_loop3A_280, %reduce_max3A_284 : vector<16xi32>
        %reduce_max3A_286 = tpu.scan <max>, %reduce_max3A_285 masked %reduce_max3A_282 : vector<16xi32>, vector<16xi1> -> vector<16xi32>
        %reduce_max3A_287 = arith.xori %reduce_max3A_286, %reduce_max3A_284 : vector<16xi32>
        %reduce_max3A_288 = vector.extract %reduce_max3A_287[15] : i32 from vector<16xi32>
        %lt3A_289 = arith.constant 64 : i32
        %lt3A_290 = arith.cmpi slt, %reduce_max3A_288, %lt3A_289 : i32
        %jit3A_291 = arith.constant -2147483648 : i32
        %select_n3A_292 = arith.select %lt3A_290, %jit3A_291, %while3A_266 : i32
        scf.yield %reduce_max3A_288, %select_n3A_292 : i32, i32
      }
      %add3A_57 = arith.constant 63 : i32
      %add3A_58 = arith.addi %while3A_56#0, %add3A_57 : i32
      %jit3A_59 = arith.constant 64 : i32
      %div3A = arith.divsi %add3A_58, %jit3A_59 : i32
      %sign3A = arith.constant 0 : i32
      %sign3A_60 = arith.cmpi sgt, %add3A_58, %sign3A : i32
      %sign3A_61 = arith.extui %sign3A_60 : i1 to i32
      %sign3A_62 = arith.constant 0 : i32
      %sign3A_63 = arith.cmpi slt, %add3A_58, %sign3A_62 : i32
      %sign3A_64 = arith.extui %sign3A_63 : i1 to i32
      %sign3A_65 = arith.subi %sign3A_61, %sign3A_64 : i32
      %sign3A_66 = arith.constant 0 : i32
      %sign3A_67 = arith.cmpi sgt, %jit3A_59, %sign3A_66 : i32
      %sign3A_68 = arith.extui %sign3A_67 : i1 to i32
      %sign3A_69 = arith.constant 0 : i32
      %sign3A_70 = arith.cmpi slt, %jit3A_59, %sign3A_69 : i32
      %sign3A_71 = arith.extui %sign3A_70 : i1 to i32
      %sign3A_72 = arith.subi %sign3A_68, %sign3A_71 : i32
      %ne3A = arith.cmpi ne, %sign3A_65, %sign3A_72 : i32
      %rem3A = arith.remsi %add3A_58, %jit3A_59 : i32
      %ne3A_73 = arith.constant 0 : i32
      %ne3A_74 = arith.cmpi ne, %rem3A, %ne3A_73 : i32
      %and3A = arith.andi %ne3A, %ne3A_74 : i1
      %sub3A_75 = arith.constant 1 : i32
      %sub3A_76 = arith.subi %div3A, %sub3A_75 : i32
      %select_n3A_77 = arith.select %and3A, %sub3A_76, %div3A : i32
      %broadcast_in_dim3A_78 = vector.broadcast %while3A_56#0 : i32 to vector<16xi32>
      %add3A_79 = arith.addi %broadcast_in_dim3A_78, %iota3A : vector<16xi32>
      %add3A_80 = arith.constant 0 : i32
      %add3A_81 = vector.broadcast %add3A_80 : i32 to vector<16xi32>
      %add3A_82 = arith.addi %add3A_79, %add3A_81 : vector<16xi32>
      tpu.vector_store_idx %arg6[%add3A_82], %broadcast_in_dim3A_3 : memref<32832xi32, #tpu.memory_space<vmem>>[vector<16xi32>], vector<16xi32>,
      %broadcast_in_dim3A_83 = vector.broadcast %while3A_56#0 : i32 to vector<16xi32>
      %add3A_84 = arith.addi %broadcast_in_dim3A_83, %iota3A : vector<16xi32>
      %add3A_85 = arith.constant 16 : i32
      %add3A_86 = vector.broadcast %add3A_85 : i32 to vector<16xi32>
      %add3A_87 = arith.addi %add3A_84, %add3A_86 : vector<16xi32>
      tpu.vector_store_idx %arg6[%add3A_87], %broadcast_in_dim3A_3 : memref<32832xi32, #tpu.memory_space<vmem>>[vector<16xi32>], vector<16xi32>,
      %broadcast_in_dim3A_88 = vector.broadcast %while3A_56#0 : i32 to vector<16xi32>
      %add3A_89 = arith.addi %broadcast_in_dim3A_88, %iota3A : vector<16xi32>
      %add3A_90 = arith.constant 32 : i32
      %add3A_91 = vector.broadcast %add3A_90 : i32 to vector<16xi32>
      %add3A_92 = arith.addi %add3A_89, %add3A_91 : vector<16xi32>
      tpu.vector_store_idx %arg6[%add3A_92], %broadcast_in_dim3A_3 : memref<32832xi32, #tpu.memory_space<vmem>>[vector<16xi32>], vector<16xi32>,
      %broadcast_in_dim3A_93 = vector.broadcast %while3A_56#0 : i32 to vector<16xi32>
      %add3A_94 = arith.addi %broadcast_in_dim3A_93, %iota3A : vector<16xi32>
      %add3A_95 = arith.constant 48 : i32
      %add3A_96 = vector.broadcast %add3A_95 : i32 to vector<16xi32>
      %add3A_97 = arith.addi %add3A_94, %add3A_96 : vector<16xi32>
      tpu.vector_store_idx %arg6[%add3A_97], %broadcast_in_dim3A_3 : memref<32832xi32, #tpu.memory_space<vmem>>[vector<16xi32>], vector<16xi32>,
      %mul3A_98 = arith.constant 4 : i32
      %mul3A_99 = arith.muli %select_n3A_77, %mul3A_98 : i32
      %parallel_loop3A_100 = arith.constant 0 : i32
      %parallel_loop3A_101 = arith.constant 1 : i32
      %parallel_loop3A_102 = arith.constant 0 : i32
      %parallel_loop3A_103 = scf.for %parallel_loop3A_265 = %parallel_loop3A_100 to %mul3A_99 step %parallel_loop3A_101 iter_args(%parallel_loop3A_266 = %parallel_loop3A_102) -> (i32)  : i32 {
        %parallel_loop3A_267 = arith.constant 16 : i32
        %parallel_loop3A_268 = arith.muli %parallel_loop3A_265, %parallel_loop3A_267 : i32
        %parallel_loop3A_269 = arith.index_cast %parallel_loop3A_268 : i32 to index
        %parallel_loop3A_270 = tpu.vector_load %arg6[%parallel_loop3A_269] {strides = array<i32>} : memref<32832xi32, #tpu.memory_space<vmem>>, vector<16xi32>,
        %parallel_loop3A_271 = tpu.vector_load_idx %arg5[%parallel_loop3A_270] : memref<32768xf32, #tpu.memory_space<vmem>>[vector<16xi32>], vector<16xf32>,
        %parallel_loop3A_272 = vector.bitcast %parallel_loop3A_271 : vector<16xf32> to vector<16xi32>
        %parallel_loop3A_273 = arith.constant 0 : i32
        %parallel_loop3A_274 = vector.broadcast %parallel_loop3A_273 : i32 to vector<16xi32>
        %parallel_loop3A_275 = arith.cmpi slt, %parallel_loop3A_272, %parallel_loop3A_274 : vector<16xi32>
        %parallel_loop3A_276 = arith.constant 2147483647 : i32
        %parallel_loop3A_277 = vector.broadcast %parallel_loop3A_276 : i32 to vector<16xi32>
        %parallel_loop3A_278 = arith.xori %parallel_loop3A_272, %parallel_loop3A_277 : vector<16xi32>
        %parallel_loop3A_279 = arith.select %parallel_loop3A_275, %parallel_loop3A_278, %parallel_loop3A_272 : vector<16xi1>, vector<16xi32>
        %parallel_loop3A_280 = arith.constant 16 : i32
        %parallel_loop3A_281 = arith.muli %parallel_loop3A_265, %parallel_loop3A_280 : i32
        %parallel_loop3A_282 = arith.index_cast %parallel_loop3A_281 : i32 to index
        %parallel_loop3A_283 = tpu.vector_load %arg7[%parallel_loop3A_282] {strides = array<i32>} : memref<32832xi32, #tpu.memory_space<vmem>>, vector<16xi32>,
        tpu.vector_store %arg7[%parallel_loop3A_282], %parallel_loop3A_279 {strides = array<i32>} : memref<32832xi32, #tpu.memory_space<vmem>>, vector<16xi32>,
        scf.yield %parallel_loop3A_266 : i32
      } {sc.loop_unroll_factor = 4 : i64, sc.parallel_access}
      %lt3A_104 = arith.constant 31 : i32
      %lt3A_105 = arith.cmpi slt, %scan3A_47, %lt3A_104 : i32
      %add3A_106 = arith.constant 1 : i32
      %add3A_107 = arith.addi %add3A_49, %add3A_106 : i32
      %select_n3A_108 = arith.select %lt3A_105, %add3A_107, %mul3A_5 : i32
      %dma_start3A_109 = arith.constant 0 : i32
      %dma_start3A_110 = tpu.memref_slice %arg2[%select_n3A_108, %dma_start3A_109] : memref<1024x32768xf32, #tpu.memory_space<hbm>> -> memref<1x32768xf32, #tpu.memory_space<hbm>>
      %dma_start3A_111 = tpu.memref_squeeze %dma_start3A_110 : memref<1x32768xf32, #tpu.memory_space<hbm>> -> memref<32768xf32, #tpu.memory_space<hbm>>
      %dma_start3A_112 = arith.constant 0 : i32
      %dma_start3A_113 = tpu.memref_slice %arg2[%select_n3A_108, %dma_start3A_112] : memref<1024x32768xf32, #tpu.memory_space<hbm>> -> memref<1x32768xf32, #tpu.memory_space<hbm>>
      %dma_start3A_114 = tpu.memref_squeeze %dma_start3A_113 : memref<1x32768xf32, #tpu.memory_space<hbm>> -> memref<32768xf32, #tpu.memory_space<hbm>>
      tpu.enqueue_dma source(%dma_start3A_114 : memref<32768xf32, #tpu.memory_space<hbm>>) target(%arg5 : memref<32768xf32, #tpu.memory_space<vmem>>) target_semaphore(%arg12 : memref<!tpu.dma_semaphore, #tpu.memory_space<semaphore_mem>>)
      %broadcast_in_dim3A_115 = vector.broadcast %while3A_56#0 : i32 to vector<16xi32>
      %add3A_116 = arith.addi %broadcast_in_dim3A_115, %iota3A : vector<16xi32>
      %add3A_117 = arith.constant 0 : i32
      %add3A_118 = vector.broadcast %add3A_117 : i32 to vector<16xi32>
      %add3A_119 = arith.addi %add3A_116, %add3A_118 : vector<16xi32>
      %broadcast_in_dim3A_120 = arith.constant -2147483648 : i32
      %broadcast_in_dim3A_121 = vector.broadcast %broadcast_in_dim3A_120 : i32 to vector<16xi32>
      tpu.vector_store_idx %arg7[%add3A_119], %broadcast_in_dim3A_121 : memref<32832xi32, #tpu.memory_space<vmem>>[vector<16xi32>], vector<16xi32>,
      %broadcast_in_dim3A_122 = vector.broadcast %while3A_56#0 : i32 to vector<16xi32>
      %add3A_123 = arith.addi %broadcast_in_dim3A_122, %iota3A : vector<16xi32>
      %add3A_124 = arith.constant 16 : i32
      %add3A_125 = vector.broadcast %add3A_124 : i32 to vector<16xi32>
      %add3A_126 = arith.addi %add3A_123, %add3A_125 : vector<16xi32>
      %broadcast_in_dim3A_127 = arith.constant -2147483648 : i32
      %broadcast_in_dim3A_128 = vector.broadcast %broadcast_in_dim3A_127 : i32 to vector<16xi32>
      tpu.vector_store_idx %arg7[%add3A_126], %broadcast_in_dim3A_128 : memref<32832xi32, #tpu.memory_space<vmem>>[vector<16xi32>], vector<16xi32>,
      %broadcast_in_dim3A_129 = vector.broadcast %while3A_56#0 : i32 to vector<16xi32>
      %add3A_130 = arith.addi %broadcast_in_dim3A_129, %iota3A : vector<16xi32>
      %add3A_131 = arith.constant 32 : i32
      %add3A_132 = vector.broadcast %add3A_131 : i32 to vector<16xi32>
      %add3A_133 = arith.addi %add3A_130, %add3A_132 : vector<16xi32>
      %broadcast_in_dim3A_134 = arith.constant -2147483648 : i32
      %broadcast_in_dim3A_135 = vector.broadcast %broadcast_in_dim3A_134 : i32 to vector<16xi32>
      tpu.vector_store_idx %arg7[%add3A_133], %broadcast_in_dim3A_135 : memref<32832xi32, #tpu.memory_space<vmem>>[vector<16xi32>], vector<16xi32>,
      %broadcast_in_dim3A_136 = vector.broadcast %while3A_56#0 : i32 to vector<16xi32>
      %add3A_137 = arith.addi %broadcast_in_dim3A_136, %iota3A : vector<16xi32>
      %add3A_138 = arith.constant 48 : i32
      %add3A_139 = vector.broadcast %add3A_138 : i32 to vector<16xi32>
      %add3A_140 = arith.addi %add3A_137, %add3A_139 : vector<16xi32>
      %broadcast_in_dim3A_141 = arith.constant -2147483648 : i32
      %broadcast_in_dim3A_142 = vector.broadcast %broadcast_in_dim3A_141 : i32 to vector<16xi32>
      tpu.vector_store_idx %arg7[%add3A_140], %broadcast_in_dim3A_142 : memref<32832xi32, #tpu.memory_space<vmem>>[vector<16xi32>], vector<16xi32>,
      %scan3A_143 = arith.constant -2147483648 : i32
      %scan3A_144 = arith.constant 0 : i32
      %scan3A_145 = arith.constant 32 : i32
      %scan3A_146 = arith.addi %scan3A_144, %scan3A_145 : i32
      %scan3A_147 = arith.constant 1 : i32
      %scan3A_148 = scf.for %scan3A_265 = %scan3A_144 to %scan3A_146 step %scan3A_147 iter_args(%scan3A_266 = %scan3A_143) -> (i32)  : i32 {
        %sub3A_267 = arith.constant 31 : i32
        %sub3A_268 = arith.subi %sub3A_267, %scan3A_265 : i32
        %shift_left3A = arith.constant 1 : i32
        %shift_left3A_269 = arith.shli %shift_left3A, %sub3A_268 : i32
        %add3A_270 = arith.addi %scan3A_266, %shift_left3A_269 : i32
        %broadcast_in_dim3A_271 = vector.broadcast %add3A_270 : i32 to vector<16xi32>
        %mul3A_272 = arith.constant 4 : i32
        %mul3A_273 = arith.muli %select_n3A_77, %mul3A_272 : i32
        %parallel_loop3A_274 = arith.constant 0 : i32
        %parallel_loop3A_275 = arith.constant 1 : i32
        %parallel_loop3A_276 = scf.for %parallel_loop3A_283 = %parallel_loop3A_274 to %mul3A_273 step %parallel_loop3A_275 iter_args(%parallel_loop3A_284 = %broadcast_in_dim3A_3) -> (vector<16xi32>)  : i32 {
          %parallel_loop3A_285 = arith.constant 16 : i32
          %parallel_loop3A_286 = arith.muli %parallel_loop3A_283, %parallel_loop3A_285 : i32
          %parallel_loop3A_287 = arith.index_cast %parallel_loop3A_286 : i32 to index
          %parallel_loop3A_288 = tpu.vector_load %arg7[%parallel_loop3A_287] {strides = array<i32>} : memref<32832xi32, #tpu.memory_space<vmem>>, vector<16xi32>,
          %parallel_loop3A_289 = arith.cmpi sge, %parallel_loop3A_288, %broadcast_in_dim3A_271 : vector<16xi32>
          %parallel_loop3A_290 = arith.select %parallel_loop3A_289, %broadcast_in_dim3A_1, %broadcast_in_dim3A_3 : vector<16xi1>, vector<16xi32>
          %parallel_loop3A_291 = arith.addi %parallel_loop3A_284, %parallel_loop3A_290 : vector<16xi32>
          scf.yield %parallel_loop3A_291 : vector<16xi32>
        } {sc.loop_unroll_factor = 4 : i64, sc.parallel_access}
        %reduce_sum3A_277 = arith.constant true
        %reduce_sum3A_278 = vector.broadcast %reduce_sum3A_277 : i1 to vector<16xi1>
        %reduce_sum3A_279 = tpu.scan <sum>, %parallel_loop3A_276 masked %reduce_sum3A_278 : vector<16xi32>, vector<16xi1> -> vector<16xi32>
        %reduce_sum3A_280 = vector.extract %reduce_sum3A_279[15] : i32 from vector<16xi32>
        %ge3A = arith.constant 64 : i32
        %ge3A_281 = arith.cmpi sge, %reduce_sum3A_280, %ge3A : i32
        %select_n3A_282 = arith.select %ge3A_281, %add3A_270, %scan3A_266 : i32
        scf.yield %select_n3A_282 : i32
      }
      %scan3A_149 = arith.constant 32 : i32
      %broadcast_in_dim3A_150 = vector.broadcast %scan3A_148 : i32 to vector<16xi32>
      %mul3A_151 = arith.constant 4 : i32
      %mul3A_152 = arith.muli %select_n3A_77, %mul3A_151 : i32
      %parallel_loop3A_153 = arith.constant 0 : i32
      %parallel_loop3A_154 = arith.constant 1 : i32
      %parallel_loop3A_155 = scf.for %parallel_loop3A_265 = %parallel_loop3A_153 to %mul3A_152 step %parallel_loop3A_154 iter_args(%parallel_loop3A_266 = %broadcast_in_dim3A_3) -> (vector<16xi32>)  : i32 {
        %parallel_loop3A_267 = arith.constant 16 : i32
        %parallel_loop3A_268 = arith.muli %parallel_loop3A_265, %parallel_loop3A_267 : i32
        %parallel_loop3A_269 = arith.index_cast %parallel_loop3A_268 : i32 to index
        %parallel_loop3A_270 = tpu.vector_load %arg7[%parallel_loop3A_269] {strides = array<i32>} : memref<32832xi32, #tpu.memory_space<vmem>>, vector<16xi32>,
        %parallel_loop3A_271 = arith.cmpi sgt, %parallel_loop3A_270, %broadcast_in_dim3A_150 : vector<16xi32>
        %parallel_loop3A_272 = arith.select %parallel_loop3A_271, %broadcast_in_dim3A_1, %broadcast_in_dim3A_3 : vector<16xi1>, vector<16xi32>
        %parallel_loop3A_273 = arith.addi %parallel_loop3A_266, %parallel_loop3A_272 : vector<16xi32>
        scf.yield %parallel_loop3A_273 : vector<16xi32>
      } {sc.loop_unroll_factor = 4 : i64, sc.parallel_access}
      %reduce_sum3A = arith.constant true
      %reduce_sum3A_156 = vector.broadcast %reduce_sum3A : i1 to vector<16xi1>
      %reduce_sum3A_157 = tpu.scan <sum>, %parallel_loop3A_155 masked %reduce_sum3A_156 : vector<16xi32>, vector<16xi1> -> vector<16xi32>
      %reduce_sum3A_158 = vector.extract %reduce_sum3A_157[15] : i32 from vector<16xi32>
      %sub3A_159 = arith.constant 64 : i32
      %sub3A_160 = arith.subi %sub3A_159, %reduce_sum3A_158 : i32
      %broadcast_in_dim3A_161 = vector.broadcast %scan3A_148 : i32 to vector<16xi32>
      %broadcast_in_dim3A_162 = vector.broadcast %while3A_56#0 : i32 to vector<16xi32>
      %add3A_163 = arith.constant 15 : i32
      %add3A_164 = arith.addi %while3A_56#0, %add3A_163 : i32
      %jit3A_165 = arith.constant 16 : i32
      %div3A_166 = arith.divsi %add3A_164, %jit3A_165 : i32
      %sign3A_167 = arith.constant 0 : i32
      %sign3A_168 = arith.cmpi sgt, %add3A_164, %sign3A_167 : i32
      %sign3A_169 = arith.extui %sign3A_168 : i1 to i32
      %sign3A_170 = arith.constant 0 : i32
      %sign3A_171 = arith.cmpi slt, %add3A_164, %sign3A_170 : i32
      %sign3A_172 = arith.extui %sign3A_171 : i1 to i32
      %sign3A_173 = arith.subi %sign3A_169, %sign3A_172 : i32
      %sign3A_174 = arith.constant 0 : i32
      %sign3A_175 = arith.cmpi sgt, %jit3A_165, %sign3A_174 : i32
      %sign3A_176 = arith.extui %sign3A_175 : i1 to i32
      %sign3A_177 = arith.constant 0 : i32
      %sign3A_178 = arith.cmpi slt, %jit3A_165, %sign3A_177 : i32
      %sign3A_179 = arith.extui %sign3A_178 : i1 to i32
      %sign3A_180 = arith.subi %sign3A_176, %sign3A_179 : i32
      %ne3A_181 = arith.cmpi ne, %sign3A_173, %sign3A_180 : i32
      %rem3A_182 = arith.remsi %add3A_164, %jit3A_165 : i32
      %ne3A_183 = arith.constant 0 : i32
      %ne3A_184 = arith.cmpi ne, %rem3A_182, %ne3A_183 : i32
      %and3A_185 = arith.andi %ne3A_181, %ne3A_184 : i1
      %sub3A_186 = arith.constant 1 : i32
      %sub3A_187 = arith.subi %div3A_166, %sub3A_186 : i32
      %select_n3A_188 = arith.select %and3A_185, %sub3A_187, %div3A_166 : i32
      %broadcast_in_dim3A_189 = vector.broadcast %sub3A_160 : i32 to vector<16xi32>
      %parallel_loop3A_190 = arith.constant 0 : i32
      %parallel_loop3A_191 = arith.constant 1 : i32
      %parallel_loop3A_192:2 = scf.for %parallel_loop3A_265 = %parallel_loop3A_190 to %select_n3A_188 step %parallel_loop3A_191 iter_args(%parallel_loop3A_266 = %broadcast_in_dim3A_3, %parallel_loop3A_267 = %broadcast_in_dim3A_3) -> (vector<16xi32>, vector<16xi32>)  : i32 {
        %parallel_loop3A_268 = arith.constant 16 : i32
        %parallel_loop3A_269 = arith.muli %parallel_loop3A_265, %parallel_loop3A_268 : i32
        %parallel_loop3A_270 = arith.index_cast %parallel_loop3A_269 : i32 to index
        %parallel_loop3A_271 = tpu.vector_load %arg6[%parallel_loop3A_270] {strides = array<i32>} : memref<32832xi32, #tpu.memory_space<vmem>>, vector<16xi32>,
        %parallel_loop3A_272 = arith.constant 16 : i32
        %parallel_loop3A_273 = arith.muli %parallel_loop3A_265, %parallel_loop3A_272 : i32
        %parallel_loop3A_274 = arith.index_cast %parallel_loop3A_273 : i32 to index
        %parallel_loop3A_275 = tpu.vector_load %arg7[%parallel_loop3A_274] {strides = array<i32>} : memref<32832xi32, #tpu.memory_space<vmem>>, vector<16xi32>,
        %parallel_loop3A_276 = arith.constant 16 : i32
        %parallel_loop3A_277 = arith.muli %parallel_loop3A_265, %parallel_loop3A_276 : i32
        %parallel_loop3A_278 = vector.broadcast %parallel_loop3A_277 : i32 to vector<16xi32>
        %parallel_loop3A_279 = arith.addi %parallel_loop3A_278, %iota3A : vector<16xi32>
        %parallel_loop3A_280 = arith.cmpi slt, %parallel_loop3A_279, %broadcast_in_dim3A_162 : vector<16xi32>
        %parallel_loop3A_281 = arith.cmpi sgt, %parallel_loop3A_275, %broadcast_in_dim3A_161 : vector<16xi32>
        %parallel_loop3A_282 = arith.andi %parallel_loop3A_281, %parallel_loop3A_280 : vector<16xi1>
        %parallel_loop3A_283 = arith.cmpi eq, %parallel_loop3A_275, %broadcast_in_dim3A_161 : vector<16xi32>
        %parallel_loop3A_284 = arith.andi %parallel_loop3A_283, %parallel_loop3A_280 : vector<16xi1>
        %parallel_loop3A_285 = arith.select %parallel_loop3A_284, %broadcast_in_dim3A_1, %broadcast_in_dim3A_3 : vector<16xi1>, vector<16xi32>
        %parallel_loop3A_286 = arith.constant true
        %parallel_loop3A_287 = vector.broadcast %parallel_loop3A_286 : i1 to vector<16xi1>
        %parallel_loop3A_288 = tpu.scan <sum>, %parallel_loop3A_285 masked %parallel_loop3A_287 : vector<16xi32>, vector<16xi1> -> vector<16xi32>
        %parallel_loop3A_289 = arith.addi %parallel_loop3A_288, %parallel_loop3A_267 : vector<16xi32>
        %parallel_loop3A_290 = arith.cmpi sle, %parallel_loop3A_289, %broadcast_in_dim3A_189 : vector<16xi32>
        %parallel_loop3A_291 = arith.andi %parallel_loop3A_284, %parallel_loop3A_290 : vector<16xi1>
        %parallel_loop3A_292 = arith.ori %parallel_loop3A_282, %parallel_loop3A_291 : vector<16xi1>
        %parallel_loop3A_293 = arith.select %parallel_loop3A_292, %broadcast_in_dim3A_1, %broadcast_in_dim3A_3 : vector<16xi1>, vector<16xi32>
        %parallel_loop3A_294 = arith.constant true
        %parallel_loop3A_295 = vector.broadcast %parallel_loop3A_294 : i1 to vector<16xi1>
        %parallel_loop3A_296 = tpu.scan <sum>, %parallel_loop3A_293 masked %parallel_loop3A_295 : vector<16xi32>, vector<16xi1> -> vector<16xi32>
        %parallel_loop3A_297 = arith.constant 1 : i32
        %parallel_loop3A_298 = vector.broadcast %parallel_loop3A_297 : i32 to vector<16xi32>
        %parallel_loop3A_299 = arith.subi %parallel_loop3A_296, %parallel_loop3A_298 : vector<16xi32>
        %parallel_loop3A_300 = arith.addi %parallel_loop3A_299, %parallel_loop3A_266 : vector<16xi32>
        tpu.vector_store_idx %arg9[%parallel_loop3A_300], %parallel_loop3A_271 masked %parallel_loop3A_292 : memref<64xi32, #tpu.memory_space<vmem>>[vector<16xi32>], vector<16xi32>, vector<16xi1>
        tpu.vector_store_idx %arg8[%parallel_loop3A_300], %parallel_loop3A_275 masked %parallel_loop3A_292 : memref<64xi32, #tpu.memory_space<vmem>>[vector<16xi32>], vector<16xi32>, vector<16xi1>
        %parallel_loop3A_301 = tpu.all_reduce %parallel_loop3A_292 {dim = 0 : i64, kind = #tpu.reduction_kind<sum>} : vector<16xi1> -> vector<16xi32>
        %parallel_loop3A_302 = arith.addi %parallel_loop3A_266, %parallel_loop3A_301 : vector<16xi32>
        %parallel_loop3A_303 = tpu.all_reduce %parallel_loop3A_284 {dim = 0 : i64, kind = #tpu.reduction_kind<sum>} : vector<16xi1> -> vector<16xi32>
        %parallel_loop3A_304 = arith.addi %parallel_loop3A_267, %parallel_loop3A_303 : vector<16xi32>
        scf.yield %parallel_loop3A_302, %parallel_loop3A_304 : vector<16xi32>, vector<16xi32>
      } {sc.loop_unroll_factor = 1 : i64, sc.parallel_access}
      %get3A = arith.constant 0 : index
      %get3A_193 = tpu.vector_load %arg8[%get3A] {strides = array<i32>} : memref<64xi32, #tpu.memory_space<vmem>>, vector<16xi32>,
      %get3A_194 = arith.constant 16 : index
      %get3A_195 = tpu.vector_load %arg8[%get3A_194] {strides = array<i32>} : memref<64xi32, #tpu.memory_space<vmem>>, vector<16xi32>,
      %get3A_196 = arith.constant 32 : index
      %get3A_197 = tpu.vector_load %arg8[%get3A_196] {strides = array<i32>} : memref<64xi32, #tpu.memory_space<vmem>>, vector<16xi32>,
      %get3A_198 = arith.constant 48 : index
      %get3A_199 = tpu.vector_load %arg8[%get3A_198] {strides = array<i32>} : memref<64xi32, #tpu.memory_space<vmem>>, vector<16xi32>,
      %get3A_200 = arith.constant 0 : index
      %get3A_201 = tpu.vector_load %arg9[%get3A_200] {strides = array<i32>} : memref<64xi32, #tpu.memory_space<vmem>>, vector<16xi32>,
      %get3A_202 = arith.constant 16 : index
      %get3A_203 = tpu.vector_load %arg9[%get3A_202] {strides = array<i32>} : memref<64xi32, #tpu.memory_space<vmem>>, vector<16xi32>,
      %get3A_204 = arith.constant 32 : index
      %get3A_205 = tpu.vector_load %arg9[%get3A_204] {strides = array<i32>} : memref<64xi32, #tpu.memory_space<vmem>>, vector<16xi32>,
      %get3A_206 = arith.constant 48 : index
      %get3A_207 = tpu.vector_load %arg9[%get3A_206] {strides = array<i32>} : memref<64xi32, #tpu.memory_space<vmem>>, vector<16xi32>,
      %scan3A_208 = arith.constant 0 : i32
      %scan3A_209 = arith.constant 64 : i32
      %scan3A_210 = arith.addi %scan3A_208, %scan3A_209 : i32
      %scan3A_211 = arith.constant 1 : i32
      %scan3A_212:12 = scf.for %scan3A_265 = %scan3A_208 to %scan3A_210 step %scan3A_211 iter_args(%scan3A_266 = %get3A_193, %scan3A_267 = %get3A_195, %scan3A_268 = %get3A_197, %scan3A_269 = %get3A_199, %scan3A_270 = %broadcast_in_dim3A_3, %scan3A_271 = %broadcast_in_dim3A_3, %scan3A_272 = %broadcast_in_dim3A_3, %scan3A_273 = %broadcast_in_dim3A_3, %scan3A_274 = %broadcast_in_dim3A_3, %scan3A_275 = %broadcast_in_dim3A_3, %scan3A_276 = %broadcast_in_dim3A_3, %scan3A_277 = %broadcast_in_dim3A_3) -> (vector<16xi32>, vector<16xi32>, vector<16xi32>, vector<16xi32>, vector<16xi32>, vector<16xi32>, vector<16xi32>, vector<16xi32>, vector<16xi32>, vector<16xi32>, vector<16xi32>, vector<16xi32>)  : i32 {
        %max3A = arith.maxsi %scan3A_266, %scan3A_267 : vector<16xi32>
        %max3A_278 = arith.maxsi %scan3A_268, %scan3A_269 : vector<16xi32>
        %max3A_279 = arith.maxsi %max3A, %max3A_278 : vector<16xi32>
        %reduce_max3A_280 = arith.constant true
        %reduce_max3A_281 = vector.broadcast %reduce_max3A_280 : i1 to vector<16xi1>
        %reduce_max3A_282 = arith.constant -2147483648 : i32
        %reduce_max3A_283 = vector.broadcast %reduce_max3A_282 : i32 to vector<16xi32>
        %reduce_max3A_284 = arith.xori %max3A_279, %reduce_max3A_283 : vector<16xi32>
        %reduce_max3A_285 = tpu.scan <max>, %reduce_max3A_284 masked %reduce_max3A_281 : vector<16xi32>, vector<16xi1> -> vector<16xi32>
        %reduce_max3A_286 = arith.xori %reduce_max3A_285, %reduce_max3A_283 : vector<16xi32>
        %reduce_max3A_287 = vector.extract %reduce_max3A_286[15] : i32 from vector<16xi32>
        %broadcast_in_dim3A_288 = vector.broadcast %reduce_max3A_287 : i32 to vector<16xi32>
        %broadcast_in_dim3A_289 = arith.constant 32768 : i32
        %broadcast_in_dim3A_290 = vector.broadcast %broadcast_in_dim3A_289 : i32 to vector<16xi32>
        %eq3A = arith.cmpi eq, %scan3A_266, %broadcast_in_dim3A_288 : vector<16xi32>
        %select_n3A_291 = arith.select %eq3A, %get3A_201, %broadcast_in_dim3A_290 : vector<16xi1>, vector<16xi32>
        %eq3A_292 = arith.cmpi eq, %scan3A_267, %broadcast_in_dim3A_288 : vector<16xi32>
        %select_n3A_293 = arith.select %eq3A_292, %get3A_203, %broadcast_in_dim3A_290 : vector<16xi1>, vector<16xi32>
        %eq3A_294 = arith.cmpi eq, %scan3A_268, %broadcast_in_dim3A_288 : vector<16xi32>
        %select_n3A_295 = arith.select %eq3A_294, %get3A_205, %broadcast_in_dim3A_290 : vector<16xi1>, vector<16xi32>
        %eq3A_296 = arith.cmpi eq, %scan3A_269, %broadcast_in_dim3A_288 : vector<16xi32>
        %select_n3A_297 = arith.select %eq3A_296, %get3A_207, %broadcast_in_dim3A_290 : vector<16xi1>, vector<16xi32>
        %min3A = arith.minsi %select_n3A_291, %select_n3A_293 : vector<16xi32>
        %min3A_298 = arith.minsi %select_n3A_295, %select_n3A_297 : vector<16xi32>
        %min3A_299 = arith.minsi %min3A, %min3A_298 : vector<16xi32>
        %reduce_min3A = arith.constant true
        %reduce_min3A_300 = vector.broadcast %reduce_min3A : i1 to vector<16xi1>
        %reduce_min3A_301 = arith.constant -2147483648 : i32
        %reduce_min3A_302 = vector.broadcast %reduce_min3A_301 : i32 to vector<16xi32>
        %reduce_min3A_303 = arith.xori %min3A_299, %reduce_min3A_302 : vector<16xi32>
        %reduce_min3A_304 = tpu.scan <min>, %reduce_min3A_303 masked %reduce_min3A_300 : vector<16xi32>, vector<16xi1> -> vector<16xi32>
        %reduce_min3A_305 = arith.xori %reduce_min3A_304, %reduce_min3A_302 : vector<16xi32>
        %reduce_min3A_306 = vector.extract %reduce_min3A_305[15] : i32 from vector<16xi32>
        %broadcast_in_dim3A_307 = vector.broadcast %reduce_min3A_306 : i32 to vector<16xi32>
        %broadcast_in_dim3A_308 = vector.broadcast %scan3A_265 : i32 to vector<16xi32>
        %add3A_309 = arith.constant 0 : i32
        %add3A_310 = vector.broadcast %add3A_309 : i32 to vector<16xi32>
        %add3A_311 = arith.addi %iota3A, %add3A_310 : vector<16xi32>
        %eq3A_312 = arith.cmpi eq, %add3A_311, %broadcast_in_dim3A_308 : vector<16xi32>
        %add3A_313 = arith.constant 16 : i32
        %add3A_314 = vector.broadcast %add3A_313 : i32 to vector<16xi32>
        %add3A_315 = arith.addi %iota3A, %add3A_314 : vector<16xi32>
        %eq3A_316 = arith.cmpi eq, %add3A_315, %broadcast_in_dim3A_308 : vector<16xi32>
        %add3A_317 = arith.constant 32 : i32
        %add3A_318 = vector.broadcast %add3A_317 : i32 to vector<16xi32>
        %add3A_319 = arith.addi %iota3A, %add3A_318 : vector<16xi32>
        %eq3A_320 = arith.cmpi eq, %add3A_319, %broadcast_in_dim3A_308 : vector<16xi32>
        %add3A_321 = arith.constant 48 : i32
        %add3A_322 = vector.broadcast %add3A_321 : i32 to vector<16xi32>
        %add3A_323 = arith.addi %iota3A, %add3A_322 : vector<16xi32>
        %eq3A_324 = arith.cmpi eq, %add3A_323, %broadcast_in_dim3A_308 : vector<16xi32>
        %select_n3A_325 = arith.select %eq3A_312, %broadcast_in_dim3A_288, %scan3A_270 : vector<16xi1>, vector<16xi32>
        %select_n3A_326 = arith.select %eq3A_316, %broadcast_in_dim3A_288, %scan3A_271 : vector<16xi1>, vector<16xi32>
        %select_n3A_327 = arith.select %eq3A_320, %broadcast_in_dim3A_288, %scan3A_272 : vector<16xi1>, vector<16xi32>
        %select_n3A_328 = arith.select %eq3A_324, %broadcast_in_dim3A_288, %scan3A_273 : vector<16xi1>, vector<16xi32>
        %select_n3A_329 = arith.select %eq3A_312, %broadcast_in_dim3A_307, %scan3A_274 : vector<16xi1>, vector<16xi32>
        %select_n3A_330 = arith.select %eq3A_316, %broadcast_in_dim3A_307, %scan3A_275 : vector<16xi1>, vector<16xi32>
        %select_n3A_331 = arith.select %eq3A_320, %broadcast_in_dim3A_307, %scan3A_276 : vector<16xi1>, vector<16xi32>
        %select_n3A_332 = arith.select %eq3A_324, %broadcast_in_dim3A_307, %scan3A_277 : vector<16xi1>, vector<16xi32>
        %eq3A_333 = arith.cmpi eq, %scan3A_266, %broadcast_in_dim3A_288 : vector<16xi32>
        %eq3A_334 = arith.cmpi eq, %get3A_201, %broadcast_in_dim3A_307 : vector<16xi32>
        %and3A_335 = arith.andi %eq3A_333, %eq3A_334 : vector<16xi1>
        %broadcast_in_dim3A_336 = arith.constant -2147483648 : i32
        %broadcast_in_dim3A_337 = vector.broadcast %broadcast_in_dim3A_336 : i32 to vector<16xi32>
        %select_n3A_338 = arith.select %and3A_335, %broadcast_in_dim3A_337, %scan3A_266 : vector<16xi1>, vector<16xi32>
        %eq3A_339 = arith.cmpi eq, %scan3A_267, %broadcast_in_dim3A_288 : vector<16xi32>
        %eq3A_340 = arith.cmpi eq, %get3A_203, %broadcast_in_dim3A_307 : vector<16xi32>
        %and3A_341 = arith.andi %eq3A_339, %eq3A_340 : vector<16xi1>
        %broadcast_in_dim3A_342 = arith.constant -2147483648 : i32
        %broadcast_in_dim3A_343 = vector.broadcast %broadcast_in_dim3A_342 : i32 to vector<16xi32>
        %select_n3A_344 = arith.select %and3A_341, %broadcast_in_dim3A_343, %scan3A_267 : vector<16xi1>, vector<16xi32>
        %eq3A_345 = arith.cmpi eq, %scan3A_268, %broadcast_in_dim3A_288 : vector<16xi32>
        %eq3A_346 = arith.cmpi eq, %get3A_205, %broadcast_in_dim3A_307 : vector<16xi32>
        %and3A_347 = arith.andi %eq3A_345, %eq3A_346 : vector<16xi1>
        %broadcast_in_dim3A_348 = arith.constant -2147483648 : i32
        %broadcast_in_dim3A_349 = vector.broadcast %broadcast_in_dim3A_348 : i32 to vector<16xi32>
        %select_n3A_350 = arith.select %and3A_347, %broadcast_in_dim3A_349, %scan3A_268 : vector<16xi1>, vector<16xi32>
        %eq3A_351 = arith.cmpi eq, %scan3A_269, %broadcast_in_dim3A_288 : vector<16xi32>
        %eq3A_352 = arith.cmpi eq, %get3A_207, %broadcast_in_dim3A_307 : vector<16xi32>
        %and3A_353 = arith.andi %eq3A_351, %eq3A_352 : vector<16xi1>
        %broadcast_in_dim3A_354 = arith.constant -2147483648 : i32
        %broadcast_in_dim3A_355 = vector.broadcast %broadcast_in_dim3A_354 : i32 to vector<16xi32>
        %select_n3A_356 = arith.select %and3A_353, %broadcast_in_dim3A_355, %scan3A_269 : vector<16xi1>, vector<16xi32>
        scf.yield %select_n3A_338, %select_n3A_344, %select_n3A_350, %select_n3A_356, %select_n3A_325, %select_n3A_326, %select_n3A_327, %select_n3A_328, %select_n3A_329, %select_n3A_330, %select_n3A_331, %select_n3A_332 : vector<16xi32>, vector<16xi32>, vector<16xi32>, vector<16xi32>, vector<16xi32>, vector<16xi32>, vector<16xi32>, vector<16xi32>, vector<16xi32>, vector<16xi32>, vector<16xi32>, vector<16xi32>
      }
      %scan3A_213 = arith.constant 64 : i32
      %lt3A_214 = arith.constant 0 : i32
      %lt3A_215 = vector.broadcast %lt3A_214 : i32 to vector<16xi32>
      %lt3A_216 = arith.cmpi slt, %scan3A_212#4, %lt3A_215 : vector<16xi32>
      %xor3A = arith.constant 2147483647 : i32
      %xor3A_217 = vector.broadcast %xor3A : i32 to vector<16xi32>
      %xor3A_218 = arith.xori %scan3A_212#4, %xor3A_217 : vector<16xi32>
      %select_n3A_219 = arith.select %lt3A_216, %xor3A_218, %scan3A_212#4 : vector<16xi1>, vector<16xi32>
      %bitcast3A = vector.bitcast %select_n3A_219 : vector<16xi32> to vector<16xf32>
      %swap3A = arith.constant 0 : index
      %swap3A_220 = tpu.vector_load %arg11[%swap3A] {strides = array<i32>} : memref<64xf32, #tpu.memory_space<vmem>>, vector<16xf32>,
      tpu.vector_store %arg11[%swap3A], %bitcast3A {strides = array<i32>} : memref<64xf32, #tpu.memory_space<vmem>>, vector<16xf32>,
      %swap3A_221 = arith.constant 0 : index
      %swap3A_222 = tpu.vector_load %arg10[%swap3A_221] {strides = array<i32>} : memref<64xi32, #tpu.memory_space<vmem>>, vector<16xi32>,
      tpu.vector_store %arg10[%swap3A_221], %scan3A_212#8 {strides = array<i32>} : memref<64xi32, #tpu.memory_space<vmem>>, vector<16xi32>,
      %lt3A_223 = arith.constant 0 : i32
      %lt3A_224 = vector.broadcast %lt3A_223 : i32 to vector<16xi32>
      %lt3A_225 = arith.cmpi slt, %scan3A_212#5, %lt3A_224 : vector<16xi32>
      %xor3A_226 = arith.constant 2147483647 : i32
      %xor3A_227 = vector.broadcast %xor3A_226 : i32 to vector<16xi32>
      %xor3A_228 = arith.xori %scan3A_212#5, %xor3A_227 : vector<16xi32>
      %select_n3A_229 = arith.select %lt3A_225, %xor3A_228, %scan3A_212#5 : vector<16xi1>, vector<16xi32>
      %bitcast3A_230 = vector.bitcast %select_n3A_229 : vector<16xi32> to vector<16xf32>
      %swap3A_231 = arith.constant 16 : index
      %swap3A_232 = tpu.vector_load %arg11[%swap3A_231] {strides = array<i32>} : memref<64xf32, #tpu.memory_space<vmem>>, vector<16xf32>,
      tpu.vector_store %arg11[%swap3A_231], %bitcast3A_230 {strides = array<i32>} : memref<64xf32, #tpu.memory_space<vmem>>, vector<16xf32>,
      %swap3A_233 = arith.constant 16 : index
      %swap3A_234 = tpu.vector_load %arg10[%swap3A_233] {strides = array<i32>} : memref<64xi32, #tpu.memory_space<vmem>>, vector<16xi32>,
      tpu.vector_store %arg10[%swap3A_233], %scan3A_212#9 {strides = array<i32>} : memref<64xi32, #tpu.memory_space<vmem>>, vector<16xi32>,
      %lt3A_235 = arith.constant 0 : i32
      %lt3A_236 = vector.broadcast %lt3A_235 : i32 to vector<16xi32>
      %lt3A_237 = arith.cmpi slt, %scan3A_212#6, %lt3A_236 : vector<16xi32>
      %xor3A_238 = arith.constant 2147483647 : i32
      %xor3A_239 = vector.broadcast %xor3A_238 : i32 to vector<16xi32>
      %xor3A_240 = arith.xori %scan3A_212#6, %xor3A_239 : vector<16xi32>
      %select_n3A_241 = arith.select %lt3A_237, %xor3A_240, %scan3A_212#6 : vector<16xi1>, vector<16xi32>
      %bitcast3A_242 = vector.bitcast %select_n3A_241 : vector<16xi32> to vector<16xf32>
      %swap3A_243 = arith.constant 32 : index
      %swap3A_244 = tpu.vector_load %arg11[%swap3A_243] {strides = array<i32>} : memref<64xf32, #tpu.memory_space<vmem>>, vector<16xf32>,
      tpu.vector_store %arg11[%swap3A_243], %bitcast3A_242 {strides = array<i32>} : memref<64xf32, #tpu.memory_space<vmem>>, vector<16xf32>,
      %swap3A_245 = arith.constant 32 : index
      %swap3A_246 = tpu.vector_load %arg10[%swap3A_245] {strides = array<i32>} : memref<64xi32, #tpu.memory_space<vmem>>, vector<16xi32>,
      tpu.vector_store %arg10[%swap3A_245], %scan3A_212#10 {strides = array<i32>} : memref<64xi32, #tpu.memory_space<vmem>>, vector<16xi32>,
      %lt3A_247 = arith.constant 0 : i32
      %lt3A_248 = vector.broadcast %lt3A_247 : i32 to vector<16xi32>
      %lt3A_249 = arith.cmpi slt, %scan3A_212#7, %lt3A_248 : vector<16xi32>
      %xor3A_250 = arith.constant 2147483647 : i32
      %xor3A_251 = vector.broadcast %xor3A_250 : i32 to vector<16xi32>
      %xor3A_252 = arith.xori %scan3A_212#7, %xor3A_251 : vector<16xi32>
      %select_n3A_253 = arith.select %lt3A_249, %xor3A_252, %scan3A_212#7 : vector<16xi1>, vector<16xi32>
      %bitcast3A_254 = vector.bitcast %select_n3A_253 : vector<16xi32> to vector<16xf32>
      %swap3A_255 = arith.constant 48 : index
      %swap3A_256 = tpu.vector_load %arg11[%swap3A_255] {strides = array<i32>} : memref<64xf32, #tpu.memory_space<vmem>>, vector<16xf32>,
      tpu.vector_store %arg11[%swap3A_255], %bitcast3A_254 {strides = array<i32>} : memref<64xf32, #tpu.memory_space<vmem>>, vector<16xf32>,
      %swap3A_257 = arith.constant 48 : index
      %swap3A_258 = tpu.vector_load %arg10[%swap3A_257] {strides = array<i32>} : memref<64xi32, #tpu.memory_space<vmem>>, vector<16xi32>,
      tpu.vector_store %arg10[%swap3A_257], %scan3A_212#11 {strides = array<i32>} : memref<64xi32, #tpu.memory_space<vmem>>, vector<16xi32>,
      "tpu.region"() ({
        %run_scoped3A = tpu.sem_alloc : memref<!tpu.dma_semaphore, #tpu.memory_space<semaphore_mem>>
        %dma_start3A_265 = arith.constant 0 : i32
        %dma_start3A_266 = tpu.memref_slice %arg3[%add3A_49, %dma_start3A_265] : memref<1024x64xf32, #tpu.memory_space<hbm>> -> memref<1x64xf32, #tpu.memory_space<hbm>>
        %dma_start3A_267 = tpu.memref_squeeze %dma_start3A_266 : memref<1x64xf32, #tpu.memory_space<hbm>> -> memref<64xf32, #tpu.memory_space<hbm>>
        %dma_start3A_268 = arith.constant 0 : i32
        %dma_start3A_269 = tpu.memref_slice %arg3[%add3A_49, %dma_start3A_268] : memref<1024x64xf32, #tpu.memory_space<hbm>> -> memref<1x64xf32, #tpu.memory_space<hbm>>
        %dma_start3A_270 = tpu.memref_squeeze %dma_start3A_269 : memref<1x64xf32, #tpu.memory_space<hbm>> -> memref<64xf32, #tpu.memory_space<hbm>>
        tpu.enqueue_dma source(%arg11 : memref<64xf32, #tpu.memory_space<vmem>>) target(%dma_start3A_270 : memref<64xf32, #tpu.memory_space<hbm>>) target_semaphore(%run_scoped3A : memref<!tpu.dma_semaphore, #tpu.memory_space<semaphore_mem>>)
        %dma_wait3A_271 = arith.constant 0 : i32
        %dma_wait3A_272 = tpu.memref_slice %arg3[%add3A_49, %dma_wait3A_271] : memref<1024x64xf32, #tpu.memory_space<hbm>> -> memref<1x64xf32, #tpu.memory_space<hbm>>
        %dma_wait3A_273 = tpu.memref_squeeze %dma_wait3A_272 : memref<1x64xf32, #tpu.memory_space<hbm>> -> memref<64xf32, #tpu.memory_space<hbm>>
        %dma_wait3A_274 = arith.constant 0 : i32
        %dma_wait3A_275 = tpu.memref_slice %arg3[%add3A_49, %dma_wait3A_274] : memref<1024x64xf32, #tpu.memory_space<hbm>> -> memref<1x64xf32, #tpu.memory_space<hbm>>
        %dma_wait3A_276 = tpu.memref_squeeze %dma_wait3A_275 : memref<1x64xf32, #tpu.memory_space<hbm>> -> memref<64xf32, #tpu.memory_space<hbm>>
        tpu.wait_dma2 semaphore(%run_scoped3A : memref<!tpu.dma_semaphore, #tpu.memory_space<semaphore_mem>>) src(%arg11 : memref<64xf32, #tpu.memory_space<vmem>>) dst(%dma_wait3A_276 : memref<64xf32, #tpu.memory_space<hbm>>)
        tpu.yield
      }) : () -> ()
      "tpu.region"() ({
        %run_scoped3A = tpu.sem_alloc : memref<!tpu.dma_semaphore, #tpu.memory_space<semaphore_mem>>
        %dma_start3A_265 = arith.constant 0 : i32
        %dma_start3A_266 = tpu.memref_slice %arg4[%add3A_49, %dma_start3A_265] : memref<1024x64xi32, #tpu.memory_space<hbm>> -> memref<1x64xi32, #tpu.memory_space<hbm>>
        %dma_start3A_267 = tpu.memref_squeeze %dma_start3A_266 : memref<1x64xi32, #tpu.memory_space<hbm>> -> memref<64xi32, #tpu.memory_space<hbm>>
        %dma_start3A_268 = arith.constant 0 : i32
        %dma_start3A_269 = tpu.memref_slice %arg4[%add3A_49, %dma_start3A_268] : memref<1024x64xi32, #tpu.memory_space<hbm>> -> memref<1x64xi32, #tpu.memory_space<hbm>>
        %dma_start3A_270 = tpu.memref_squeeze %dma_start3A_269 : memref<1x64xi32, #tpu.memory_space<hbm>> -> memref<64xi32, #tpu.memory_space<hbm>>
        tpu.enqueue_dma source(%arg10 : memref<64xi32, #tpu.memory_space<vmem>>) target(%dma_start3A_270 : memref<64xi32, #tpu.memory_space<hbm>>) target_semaphore(%run_scoped3A : memref<!tpu.dma_semaphore, #tpu.memory_space<semaphore_mem>>)
        %dma_wait3A_271 = arith.constant 0 : i32
        %dma_wait3A_272 = tpu.memref_slice %arg4[%add3A_49, %dma_wait3A_271] : memref<1024x64xi32, #tpu.memory_space<hbm>> -> memref<1x64xi32, #tpu.memory_space<hbm>>
        %dma_wait3A_273 = tpu.memref_squeeze %dma_wait3A_272 : memref<1x64xi32, #tpu.memory_space<hbm>> -> memref<64xi32, #tpu.memory_space<hbm>>
        %dma_wait3A_274 = arith.constant 0 : i32
        %dma_wait3A_275 = tpu.memref_slice %arg4[%add3A_49, %dma_wait3A_274] : memref<1024x64xi32, #tpu.memory_space<hbm>> -> memref<1x64xi32, #tpu.memory_space<hbm>>
        %dma_wait3A_276 = tpu.memref_squeeze %dma_wait3A_275 : memref<1x64xi32, #tpu.memory_space<hbm>> -> memref<64xi32, #tpu.memory_space<hbm>>
        tpu.wait_dma2 semaphore(%run_scoped3A : memref<!tpu.dma_semaphore, #tpu.memory_space<semaphore_mem>>) src(%arg10 : memref<64xi32, #tpu.memory_space<vmem>>) dst(%dma_wait3A_276 : memref<64xi32, #tpu.memory_space<hbm>>)
        tpu.yield
      }) : () -> ()
      %lt3A_259 = arith.constant -2143289344 : i32
      %lt3A_260 = arith.cmpi slt, %scan3A_148, %lt3A_259 : i32
      %sub3A_261 = arith.constant 4194304 : i32
      %sub3A_262 = arith.subi %scan3A_148, %sub3A_261 : i32
      %jit3A_263 = arith.constant -2147483648 : i32
      %select_n3A_264 = arith.select %lt3A_260, %jit3A_263, %sub3A_262 : i32
      scf.yield %select_n3A_264 : i32
    }
    %scan3A_40 = arith.constant 32 : i32
    %dma_wait3A_41 = arith.constant 0 : i32
    %dma_wait3A_42 = tpu.memref_slice %arg2[%mul3A_5, %dma_wait3A_41] : memref<1024x32768xf32, #tpu.memory_space<hbm>> -> memref<1x32768xf32, #tpu.memory_space<hbm>>
    %dma_wait3A_43 = tpu.memref_squeeze %dma_wait3A_42 : memref<1x32768xf32, #tpu.memory_space<hbm>> -> memref<32768xf32, #tpu.memory_space<hbm>>
    %dma_wait3A_44 = arith.constant 0 : i32
    %dma_wait3A_45 = tpu.memref_slice %arg2[%mul3A_5, %dma_wait3A_44] : memref<1024x32768xf32, #tpu.memory_space<hbm>> -> memref<1x32768xf32, #tpu.memory_space<hbm>>
    %dma_wait3A_46 = tpu.memref_squeeze %dma_wait3A_45 : memref<1x32768xf32, #tpu.memory_space<hbm>> -> memref<32768xf32, #tpu.memory_space<hbm>>
    tpu.wait_dma2 semaphore(%arg12 : memref<!tpu.dma_semaphore, #tpu.memory_space<semaphore_mem>>) src(%dma_wait3A_46 : memref<32768xf32, #tpu.memory_space<hbm>>) dst(%arg5 : memref<32768xf32, #tpu.memory_space<vmem>>)
    return
  }
}

</mosaic_0001>

<sc_bundles>
// kernel: _sc_topk.3.cloned.1.call-start
scs
__scs_entry_jumppad:
0x0: {  	(pc) =	sbr.rel $0x88, $3  }
0x1: {  	(tag) =	ssettag $0x0;
	lr =	simm.s32 $0x1  }
0x2: {  	[smem:$0x3FA0] =	sst lr;
	_ =	strace $0xD0000000  }
0x3: {  	_ = 	snop  }
0x4: {  	_ = 	snop  }
0x5: {  	_ = 	snop  }
0x6: {  	_ = 	snop  }
0x7: {  	_ = 	snop  }
__scs_overlays_trampoline_lowered:
0x8: {  	[smem:$0x3FAF] =	sst s0  }
0x9: {  	[smem:$0x3FB0] =	sst s1  }
0xa: {  	[smem:$0x3FB1] =	sst s2  }
0xb: {  	[smem:$0x3FB2] =	sst s3  }
0xc: {  	[smem:$0x3FB3] =	sst s4  }
0xd: {  	[smem:$0x3FB4] =	sst s5  }
0xe: {  	[smem:$0x3FB5] =	sst s6  }
0xf: {  	[smem:$0x3FB6] =	sst s7  }
0x10: {  	[smem:$0x3FB7] =	sst s8  }
0x11: {  	[smem:$0x3FB8] =	sst s9;
	s0 =	simm.s32 @!p0 $0x0  }
0x12: {  	s1 =	sld [smem:$0x3F9E];
	s0 =	simm.s32 @p0 $0x1  }
0x13: {  	[smem:$0x3FB9] =	sst s0;
	s0 =	simm.s32 @!p1 $0x0  }
0x14: {  	s2 =	sld [smem:$0x3F9D];
	s0 =	simm.s32 @p1 $0x1  }
0x15: {  	[smem:$0x3FBA] =	sst s0;
	s0 =	simm.s32 @!p2 $0x0  }
0x16: {  	s3 =	sld [smem:$0x3FDB];
	s0 =	simm.s32 @p2 $0x1  }
0x17: {  	s4 =	simm.s32 $0x1BF5;
	[smem:$0x3FBC] =	sst s0  }
0x18: {  	s0 =	sld [smem:$0x3F9F];
	_ =	swait.ge [sflag:s4], $0x0  }
0x19: {  	s7 =	sld [smem:$0x3FA0]  }
0x1a: {  	s8 =	sadd.s32 $0xFFFFE003, lr  }
0x1b: {  	s9 =	sadd.s32 $0xFFFFFEF7, lr;
	s5 =	simm.s32 $0xFFFFFFFF;
	p2 =	slt.u32 s8, $0xFFFFF086  }
0x1c: {  	p1 =	slt.u32 s9, $0xF7A;
	s5 =	simm.s32 @!p2 $0x0  }
0x1d: {  	s5 =	simm.s32 @p1 $0x1;
	p0 =	seq.s32 s7, s2  }
0x1e: {  	s7 =	smul.u32 @!p0 $0xF7A, s2;
	p2 =	seq.s32 @!p0 s5, $0x0  }
0x1f: {  	s9 =	smul.u32 $0xF7A, s1;
	s8 =	simm.s32 @!p0 $0x1BF5;
	p2 =	por !p2, p0  }
0x20: {  	[sflag:s8] =	ssyncset.s32 @!p0 $0xFFFFF086;
	s6 =	sadd.s32 @!p0 s3, s7;
	s7 =	simm.s32 @!p0 $0x108  }
0x21: {  	s3 =	sadd.s32 s3, s9;
	s6 =	sadd.s32 @!p0 $0x88, s6;
	s7 =	simm.s32 @p2 $0x1082  }
0x22: {  	[simem:s7], [sflag:s8] =	dma.local @!p0 [hbm:s6], $0xF7A  }
0x23: {  	s9 =	sor.u32 $0xD0000000, s2;
	s6 =	simm.s32 $0x108;
	_ =	swait.ge @!p0 [sflag:s8], $0x0  }
0x24: {  	s3 =	sadd.s32 $0x88, s3;
	s6 =	simm.s32 @!p1 $0x1082;
	[sflag:s4] =	ssyncset.s32 $0xFFFFF086  }
0x25: {  	[simem:s6], [sflag:s4] =	dma.local [hbm:s3], $0xF7A  }
0x26: {  	[smem:$0x3FA0] =	sst s1;
	(tag) =	ssettag s2;
	_ =	strace s9  }
0x27: {  	s1 =	sld [smem:$0x3FB0]  }
0x28: {  	s2 =	sld [smem:$0x3FB1]  }
0x29: {  	s4 =	sld [smem:$0x3FB3]  }
0x2a: {  	p0 =	seq.s32 s5, $0x0;
	s5 =	sld [smem:$0x3FB4]  }
0x2b: {  	s6 =	sld [smem:$0x3FB5]  }
0x2c: {  	s7 =	sld [smem:$0x3FB6]  }
0x2d: {  	s3 =	simm.s32 $0x108;
	s8 =	sld [smem:$0x3FB7]  }
0x2e: {  	s3 =	simm.s32 @!p0 $0x1082;
	s9 =	sld [smem:$0x3FB8]  }
0x2f: {  	lr =	sadd.s32 s0, s3;
	s0 =	sld [smem:$0x3FAF]  }
0x30: {  	s3 =	sld [smem:$0x3FB2]  }
0x31: {  	[smem:$0x3FBB] =	sst s10  }
0x32: {  	s10 =	sld [smem:$0x3FB9];
	_ =	sdelay $0x3  }
0x33: {  	p0 =	seq.s32 s10, $0x1;
	s10 =	sld [smem:$0x3FBB];
	_ =	sdelay $0x3  }
0x34: {  	[smem:$0x3FBB] =	sst s10  }
0x35: {  	s10 =	sld [smem:$0x3FBA];
	_ =	sdelay $0x3  }
0x36: {  	p1 =	seq.s32 s10, $0x1;
	s10 =	sld [smem:$0x3FBB];
	_ =	sdelay $0x3  }
0x37: {  	[smem:$0x3FBB] =	sst s10  }
0x38: {  	s10 =	sld [smem:$0x3FBC]  }
0x39: {  	_ = 	snop;
	(pc) =	sbr.ind lr, $3  }
0x3a: {  	_ = 	snop  }
0x3b: {  	_ = 	snop  }
0x3c: {  	p2 =	seq.s32 s10, $0x1;
	s10 =	sld [smem:$0x3FBB]  }
0x3d: {  	_ =	shalt  }
0x3e: {  	_ =	shalt  }
0x3f: {  	_ =	shalt  }
0x40: {  	_ =	shalt  }
0x41: {  	_ =	shalt  }
0x42: {  	_ =	shalt  }
0x43: {  	_ =	shalt  }
0x44: {  	_ =	shalt  }
0x45: {  	_ =	shalt  }
0x46: {  	_ =	shalt  }
0x47: {  	_ =	shalt  }
0x48: {  	_ =	shalt  }
0x49: {  	_ =	shalt  }
0x4a: {  	_ =	shalt  }
0x4b: {  	_ =	shalt  }
0x4c: {  	_ =	shalt  }
0x4d: {  	_ =	shalt  }
0x4e: {  	_ =	shalt  }
0x4f: {  	_ =	shalt  }
0x50: {  	_ =	shalt  }
0x51: {  	_ =	shalt  }
0x52: {  	_ =	shalt  }
0x53: {  	_ =	shalt  }
0x54: {  	_ =	shalt  }
0x55: {  	_ =	shalt  }
0x56: {  	_ =	shalt  }
0x57: {  	_ =	shalt  }
0x58: {  	_ =	shalt  }
0x59: {  	_ =	shalt  }
0x5a: {  	_ =	shalt  }
0x5b: {  	_ =	shalt  }
0x5c: {  	_ =	shalt  }
0x5d: {  	_ =	shalt  }
0x5e: {  	_ =	shalt  }
0x5f: {  	_ =	shalt  }
0x60: {  	_ =	shalt  }
0x61: {  	_ =	shalt  }
0x62: {  	_ =	shalt  }
0x63: {  	_ =	shalt  }
0x64: {  	_ =	shalt  }
0x65: {  	_ =	shalt  }
0x66: {  	_ =	shalt  }
0x67: {  	_ =	shalt  }
0x68: {  	_ =	shalt  }
0x69: {  	_ =	shalt  }
0x6a: {  	_ =	shalt  }
0x6b: {  	_ =	shalt  }
0x6c: {  	_ =	shalt  }
0x6d: {  	_ =	shalt  }
0x6e: {  	_ =	shalt  }
0x6f: {  	_ =	shalt  }
0x70: {  	_ =	shalt  }
0x71: {  	_ =	shalt  }
0x72: {  	_ =	shalt  }
0x73: {  	_ =	shalt  }
0x74: {  	_ =	shalt  }
0x75: {  	_ =	shalt  }
0x76: {  	_ =	shalt  }
0x77: {  	_ =	shalt  }
0x78: {  	_ =	shalt  }
0x79: {  	_ =	shalt  }
0x7a: {  	_ =	shalt  }
0x7b: {  	_ =	shalt  }
0x7c: {  	_ =	shalt  }
0x7d: {  	_ =	shalt  }
0x7e: {  	_ =	shalt  }
0x7f: {  	_ =	shalt  }
0x80: {  	_ =	shalt  }
0x81: {  	_ =	shalt  }
0x82: {  	_ =	shalt  }
0x83: {  	_ =	shalt  }
0x84: {  	_ =	shalt  }
0x85: {  	_ =	shalt  }
0x86: {  	_ =	shalt  }
0x87: {  	_ =	shalt  }
.Lfunc_end0:
.L_simem_size_0:
called_computation_lowered:
.L_overlay_start_0:
0x88: {  	s2 =	sld [smem:$0x3FD9]  }
0x89: {  	s3 =	sld [smem:$0x3FFE];
	_ =	sdelay $0x1  }
0x8a: {  	s1 =	srdreg.scid  }
0x8b: {  	s0 =	sand.u32 $0x1, s1  }
0x8c: {  	s17 =	sshll.u32 s0, $0xA;
	s2 =	sadd.s32 s3, s2  }
0x8d: {  	s2 =	sadd.s32 s2, s17  }
0x8e: {  	[smem:$0x3FC7] =	sst s2  }
0x8f: {  	_ = 	snop  }
0x90: {  	s2 =	sld [smem:$0x3FC9];
	(tm) =	ssettm $0x1  }
0x91: {  	s18 =	sld [smem:$0x3FFB];
	_ =	sdelay $0x3  }
0x92: {  	_ =	strace s18  }
0x93: {  	s3 =	sld [smem:$0x3FFC];
	_ =	sdelay $0x3  }
0x94: {  	_ =	strace s3  }
0x95: {  	s3 =	sld [smem:$0x3FFD];
	_ =	sdelay $0x3  }
0x96: {  	_ =	strace s3  }
0x97: {  	_ =	strace $0x8FFFFFFF  }
0x98: {  	s19 =	sld [smem:$0x3FDB];
	_ =	sdelay $0x1  }
0x99: {  	s4 =	simm.s32 $_scs_section_size  }
0x9a: {  	s5 =	simm.s32 $_size__tile_overlayer_lowered;
	s6 =	simm.s32 $_tile_overlayer_lowered  }
0x9b: {  	s22 =	simm.s32 $0x1BFF;
	s21 =	sshll.u32 s6, $0x1;
	s3 =	sadd.s32 s4, s19  }
0x9c: {  	s7 =	simm.s32 $0x0;
	s20 =	sshll.u32 s5, $0x1;
	s5 =	sadd.s32 s21, s3  }
0x9d: {  	[timem:s7], [sflag:s22] =	dma.local [hbm:s5], s20  }
0x9e: {  	_ =	swait.ge [sflag:s22], s20  }
0x9f: {  	s4 =	ssub.s32 $0x0, s20;
	[sflag:s22] =	ssyncset.done $0x0  }
0xa0: {  	[sflag:s22] =	ssyncadd.s32 s4;
	_ =	sdelay $0x1  }
0xa1: {  	s23 =	simm.s32 $0x1B8B  }
0xa2: {  	_ =	swait.ge [sflag:s23], $0x1  }
0xa3: {  	[sflag:s23] =	ssyncset.done $0x0  }
0xa4: {  	s25 =	simm.s32 $0x1B8E;
	s24 =	sld [smem:$0x3FFE];
	[sflag:s23] =	ssyncadd.s32 $0xFFFFFFFF  }
0xa5: {  	s26 =	simm.s32 $execute0_lowered;
	[smem:$0x3FD2] =	sst s25  }
0xa6: {  	s5 =	sshll.u32 s26, $0x1;
	_ =	strace $0x80000046;
	[dreg:$0x1] =	wrdreg $0xFFFFFFFF  }
0xa7: {  	s28 =	simm.s32 $_size_execute0_lowered;
	s3 =	sadd.s32 s3, s5;
	[dreg:$0x0] =	wrdreg $0x0  }
0xa8: {  	s5 =	sshll.u32 s28, $0x1;
	[dreg:$0x2] =	wrdreg s3  }
0xa9: {  	[dreg:$0x3] =	wrdreg s5  }
0xaa: {  	[dreg:$0x4] =	wrdreg $0xC0  }
0xab: {  	_ =	task [dreg:s7], $0x5FFFF  }
0xac: {  	[dreg:$0x1] =	wrdreg $0xFFFFFFFF  }
0xad: {  	[dreg:$0x0] =	wrdreg $0x60  }
0xae: {  	[dreg:$0x2] =	wrdreg s2  }
0xaf: {  	[dreg:$0x3] =	wrdreg s24  }
0xb0: {  	[dreg:$0x4] =	wrdreg $0x9  }
0xb1: {  	_ =	task.clear_ibuf [dreg:s7], $0x5FFFF;
	_ =	strace $0x90000046  }
0xb2: {  	s29 =	simm.s32 $0x9;
	_ =	strace $0x80000048  }
0xb3: {  	_ =	swait.ge [sflag:s29], $0x1  }
0xb4: {  	[sflag:s29] =	ssyncadd.s32 $0xFFFFFFFF  }
0xb5: {  	_ =	strace $0x90000048  }
0xb6: {  	_ =	sfence  }
0xb7: {  	s30 =	sld [smem:$0x0];
	_ =	sdelay $0x2  }
0xb8: {  	s31 =	sshll.u32 s1, $0xD;
	s1 =	sshrl.u32 s1, $0x2  }
0xb9: {  	s3 =	sand.u32 $0x4000, s31;
	s1 =	sadd.s32 s1, s30  }
0xba: {  	s0 =	sor.u32 s3, s0;
	s1 =	sshll.u32 s1, $0x11  }
0xbb: {  	s0 =	sor.u32 s1, s0  }
0xbc: {  	s0 =	sadd.s32 $0x8F2B, s0  }
0xbd: {  	[sflag:s0] =	ssyncadd.remote.s32 $0x1  }
0xbe: {  	_ =	sfence.sel $0xFFFF  }
0xbf: {  	[dreg:$0x0] =	wrdreg $0xFFFFFFFF;
	(pc) =	sbr.abs _section_cstart, $3  }
0xc0: {  	[dreg:$0x1] =	wrdreg $0xFFFFFFFF  }
0xc1: {  	_ =	task.clear_ibuf [dreg:s7], $0x2FFFF;
	_ =	strace $0x9FFFFFFF  }
0xc2: {  	(tm) =	ssettm $0x7FFFFFFF  }
0xc3: {  	_ =	shalt  }
tec
execute0_lowered:
.L_overlay_start_1:
0x0: {  	(tag) =	ssettag $0x1  }
0x1: {  	s1 =	rddreg [dreg:$0x0]  }
0x2: {  	s6 =	rddreg [dreg:$0x1]  }
0x3: {  	s0 =	rddreg [dreg:$0x2]  }
0x4: {  	s3 =	simm.s32 $0x0;
	s4 =	srdreg.scid;
	s2 =	stileid.u32  }
0x5: {  	s9 =	simm.s32 $0x400;
	s10 =	simm.s32 $0x1;
	s11 =	simm.s32 $0x80  }
0x6: {  	s12 =	simm.s32 $0x8000;
	s13 =	simm.s32 $0x10080;
	s14 =	simm.s32 $0x80000000  }
0x7: {  	s15 =	simm.s32 $0x18180;
	s16 =	simm.s32 $0x18100;
	s17 =	simm.s32 $0x18280  }
0x8: {  	s18 =	simm.s32 $0x2;
	s19 =	simm.s32 $0x18200;
	s20 =	simm.s32 $0x0  }
.Ltmp0:
0x9: {  	[smem:$0x7FF] =	sst s3;
	s4 =	sand.u32 $0x1, s4;
	(pc) =	sbr.rel .LBB2_1-.Ltmp0, $4  }
0xa: {  	s5 =	sshll.u32 s2, $0x6;
	s7 =	ssub.s32 $0x2, s4;
	s4 =	sshll.u32 s4, $0x5  }
0xb: {  	_ =	strace $0x80000047;
	s8 =	sshrl.u32 s7, $0x1;
	s4 =	sor.u32 s4, s5  }
0xc: {  	s5 =	sadd.s32 $0x800, s6;
	s8 =	ssub.s32 s7, s8;
	s31 =	sshll.u32 s4, $0xC  }
0xd: {  	v0 =	vimm.s32 $0x0;
	v1 =	vlaneseq.u32;
	v2 =	vimm.s32 $0x80000000;
	s6 =	sadd.s32 $0x4800, s6;
	s7 =	sadd.s32 s1, s31;
	s8 =	smax.u32 s8, $0x1  }
.LBB2_48:
0xe: {  	s20 =	sadd.s32 $0x1, s20  }
0xf: {  	p0 =	sne.s32 s20, s8  }
.Ltmp1:
0x10: {  	_ = 	snop;
	(pc) =	sbr.rel @!p0 .LBB2_49-.Ltmp1, $4  }
0x11: {  	_ = 	snop  }
0x12: {  	_ =	swait.ge [sflag:s10], $0x8000  }
0x13: {  	[sflag:s10] =	ssyncset.done $0x0  }
0x14: {  	[sflag:s10] =	ssyncadd.s32 $0xFFFF8000  }
.LBB2_1:
0x15: {  	[tilespmem:s3], [sflag:$0x1] =	stream.strided.gather [hbm4b:s7+s11], $0x8000, s9, s11, $0x38;
	[tilespmem:$0x18300] =	vst v63  }
0x16: {  	_ =	swait.ge [sflag:s10], $0x8000  }
0x17: {  	[sflag:s10] =	ssyncset.done $0x0  }
0x18: {  	[sflag:s10] =	ssyncadd.s32 $0xFFFF8000  }
0x19: {  	v3 =	vld [tilespmem:s11+$0xFFFFFF80];
	_ =	sdelay $0x1  }
0x1a: {  	v4 =	vld [tilespmem:s11+$0xFFFFFF90];
	_ =	sdelay $0x1  }
0x1b: {  	v5 =	vld [tilespmem:s11+$0xFFFFFFA0]  }
0x1c: {  	vm0 =	vlt.s32 v3, $0x0;
	v6 =	vxor.u32 $0x7FFFFFFF, v3  }
0x1d: {  	v3 =	vsel vm0, v6, v3;
	v6 =	vld [tilespmem:s11+$0xFFFFFFB0]  }
0x1e: {  	vm1 =	vlt.s32 v4, $0x0;
	v7 =	vxor.u32 $0x7FFFFFFF, v4;
	vm0 =	vgt.s32 v2, v3  }
0x1f: {  	v4 =	vsel vm1, v7, v4;
	v7 =	vld [tilespmem:s11+$0xFFFFFFC0];
	v3 =	vsel vm0, v2, v3  }
0x20: {  	v8 =	vxor.u32 $0x7FFFFFFF, v5;
	vm1 =	vlt.s32 v5, $0x0;
	vm0 =	vgt.s32 v3, v4  }
0x21: {  	v3 =	vsel vm0, v3, v4;
	v4 =	vsel vm1, v8, v5;
	v5 =	vld [tilespmem:s11+$0xFFFFFFD0]  }
0x22: {  	vm0 =	vgt.s32 v3, v4;
	vm1 =	vlt.s32 v6, $0x0;
	v8 =	vxor.u32 $0x7FFFFFFF, v6  }
0x23: {  	v3 =	vsel vm0, v3, v4;
	v4 =	vsel vm1, v8, v6;
	v6 =	vld [tilespmem:s11+$0xFFFFFFE0]  }
0x24: {  	vm1 =	vlt.s32 v7, $0x0;
	v8 =	vxor.u32 $0x7FFFFFFF, v7;
	vm0 =	vgt.s32 v3, v4  }
0x25: {  	v3 =	vsel vm0, v3, v4;
	v4 =	vsel vm1, v8, v7;
	v7 =	vld [tilespmem:s11+$0xFFFFFFF0]  }
0x26: {  	vm0 =	vgt.s32 v3, v4;
	vm1 =	vlt.s32 v5, $0x0;
	v8 =	vxor.u32 $0x7FFFFFFF, v5  }
0x27: {  	v3 =	vsel vm0, v3, v4;
	v4 =	vsel vm1, v8, v5;
	v5 =	vld [tilespmem:s11+$0x0]  }
0x28: {  	vm0 =	vgt.s32 v3, v4;
	vm1 =	vlt.s32 v6, $0x0;
	v8 =	vxor.u32 $0x7FFFFFFF, v6  }
0x29: {  	v3 =	vsel vm0, v3, v4;
	v4 =	vsel vm1, v8, v6;
	v6 =	vld [tilespmem:s11+$0x10]  }
0x2a: {  	vm0 =	vgt.s32 v3, v4;
	vm1 =	vlt.s32 v7, $0x0;
	v8 =	vxor.u32 $0x7FFFFFFF, v7  }
0x2b: {  	v3 =	vsel vm0, v3, v4;
	v4 =	vsel vm1, v8, v7;
	v7 =	vld [tilespmem:s11+$0x20]  }
0x2c: {  	vm0 =	vgt.s32 v3, v4;
	vm1 =	vlt.s32 v5, $0x0;
	v8 =	vxor.u32 $0x7FFFFFFF, v5  }
0x2d: {  	v3 =	vsel vm0, v3, v4;
	v4 =	vsel vm1, v8, v5;
	v5 =	vld [tilespmem:s11+$0x30]  }
0x2e: {  	vm0 =	vgt.s32 v3, v4;
	vm1 =	vlt.s32 v6, $0x0;
	v8 =	vxor.u32 $0x7FFFFFFF, v6  }
0x2f: {  	v3 =	vsel vm0, v3, v4;
	v4 =	vsel vm1, v8, v6;
	v8 =	vld [tilespmem:s11+$0x40]  }
0x30: {  	vm0 =	vgt.s32 v3, v4;
	vm1 =	vlt.s32 v7, $0x0;
	v6 =	vxor.u32 $0x7FFFFFFF, v7  }
0x31: {  	v4 =	vsel vm0, v3, v4;
	v6 =	vsel vm1, v6, v7;
	v3 =	vld [tilespmem:s11+$0x50]  }
0x32: {  	vm0 =	vgt.s32 v4, v6;
	vm1 =	vlt.s32 v5, $0x0;
	v7 =	vxor.u32 $0x7FFFFFFF, v5  }
0x33: {  	v4 =	vsel vm0, v4, v6;
	v6 =	vsel vm1, v7, v5;
	v5 =	vld [tilespmem:s11+$0x60]  }
0x34: {  	vm0 =	vgt.s32 v4, v6;
	vm1 =	vlt.s32 v8, $0x0;
	v7 =	vxor.u32 $0x7FFFFFFF, v8  }
0x35: {  	v6 =	vsel vm0, v4, v6;
	v7 =	vsel vm1, v7, v8;
	v4 =	vld [tilespmem:s11+$0x70]  }
0x36: {  	s21 =	simm.s32 $0x0;
	s22 =	simm.s32 $0x180;
	vm0 =	vgt.s32 v6, v7;
	vm1 =	vlt.s32 v3, $0x0;
	v8 =	vxor.u32 $0x7FFFFFFF, v3  }
.LBB2_2:
0x37: {  	v9 =	vld [tilespmem:s22+$0xFFFFFF80];
	s21 =	sadd.s32 $0x10, s21;
	v6 =	vsel vm0, v6, v7;
	v3 =	vsel vm1, v8, v3  }
0x38: {  	p0 =	slt.u32 s21, $0x7F0;
	vm0 =	vgt.s32 v6, v3;
	vm1 =	vlt.s32 v5, $0x0;
	v7 =	vxor.u32 $0x7FFFFFFF, v5  }
0x39: {  	v8 =	vld [tilespmem:s22+$0xFFFFFF90];
	v3 =	vsel vm0, v6, v3;
	v5 =	vsel vm1, v7, v5  }
0x3a: {  	vm0 =	vgt.s32 v3, v5;
	vm1 =	vlt.s32 v4, $0x0;
	v6 =	vxor.u32 $0x7FFFFFFF, v4  }
0x3b: {  	v7 =	vld [tilespmem:s22+$0xFFFFFFA0];
	v3 =	vsel vm0, v3, v5;
	v4 =	vsel vm1, v6, v4  }
0x3c: {  	vm0 =	vlt.s32 v9, $0x0;
	v5 =	vxor.u32 $0x7FFFFFFF, v9;
	vm1 =	vgt.s32 v3, v4  }
0x3d: {  	v5 =	vsel vm0, v5, v9;
	v6 =	vld [tilespmem:s22+$0xFFFFFFB0];
	v3 =	vsel vm1, v3, v4  }
0x3e: {  	vm0 =	vgt.s32 v3, v5;
	vm1 =	vlt.s32 v8, $0x0;
	v4 =	vxor.u32 $0x7FFFFFFF, v8  }
0x3f: {  	v3 =	vsel vm0, v3, v5;
	v4 =	vsel vm1, v4, v8;
	v5 =	vld [tilespmem:s22+$0xFFFFFFC0]  }
0x40: {  	vm0 =	vgt.s32 v3, v4;
	vm1 =	vlt.s32 v7, $0x0;
	v8 =	vxor.u32 $0x7FFFFFFF, v7  }
0x41: {  	v3 =	vsel vm0, v3, v4;
	v4 =	vsel vm1, v8, v7;
	v7 =	vld [tilespmem:s22+$0xFFFFFFD0]  }
0x42: {  	vm0 =	vgt.s32 v3, v4;
	vm1 =	vlt.s32 v6, $0x0;
	v8 =	vxor.u32 $0x7FFFFFFF, v6  }
0x43: {  	v3 =	vsel vm0, v3, v4;
	v4 =	vsel vm1, v8, v6;
	v6 =	vld [tilespmem:s22+$0xFFFFFFE0]  }
0x44: {  	vm0 =	vgt.s32 v3, v4;
	vm1 =	vlt.s32 v5, $0x0;
	v8 =	vxor.u32 $0x7FFFFFFF, v5  }
0x45: {  	v3 =	vsel vm0, v3, v4;
	v4 =	vsel vm1, v8, v5;
	v5 =	vld [tilespmem:s22+$0xFFFFFFF0]  }
0x46: {  	vm0 =	vgt.s32 v3, v4;
	vm1 =	vlt.s32 v7, $0x0;
	v8 =	vxor.u32 $0x7FFFFFFF, v7  }
0x47: {  	v3 =	vsel vm0, v3, v4;
	v4 =	vsel vm1, v8, v7;
	v7 =	vld [tilespmem:s22+$0x0]  }
0x48: {  	vm0 =	vgt.s32 v3, v4;
	vm1 =	vlt.s32 v6, $0x0;
	v8 =	vxor.u32 $0x7FFFFFFF, v6  }
0x49: {  	v3 =	vsel vm0, v3, v4;
	v4 =	vsel vm1, v8, v6;
	v6 =	vld [tilespmem:s22+$0x10]  }
0x4a: {  	vm0 =	vgt.s32 v3, v4;
	vm1 =	vlt.s32 v5, $0x0;
	v8 =	vxor.u32 $0x7FFFFFFF, v5  }
0x4b: {  	v3 =	vsel vm0, v3, v4;
	v4 =	vsel vm1, v8, v5;
	v5 =	vld [tilespmem:s22+$0x20]  }
0x4c: {  	vm0 =	vgt.s32 v3, v4;
	vm1 =	vlt.s32 v7, $0x0;
	v8 =	vxor.u32 $0x7FFFFFFF, v7  }
0x4d: {  	v3 =	vsel vm0, v3, v4;
	v4 =	vsel vm1, v8, v7;
	v7 =	vld [tilespmem:s22+$0x30]  }
0x4e: {  	vm0 =	vgt.s32 v3, v4;
	vm1 =	vlt.s32 v6, $0x0;
	v8 =	vxor.u32 $0x7FFFFFFF, v6  }
0x4f: {  	v3 =	vsel vm0, v3, v4;
	v4 =	vsel vm1, v8, v6;
	v8 =	vld [tilespmem:s22+$0x40]  }
0x50: {  	vm0 =	vgt.s32 v3, v4;
	vm1 =	vlt.s32 v5, $0x0;
	v6 =	vxor.u32 $0x7FFFFFFF, v5  }
0x51: {  	v4 =	vsel vm0, v3, v4;
	v5 =	vsel vm1, v6, v5;
	v3 =	vld [tilespmem:s22+$0x50]  }
.Ltmp2:
0x52: {  	vm0 =	vgt.s32 v4, v5;
	vm1 =	vlt.s32 v7, $0x0;
	v6 =	vxor.u32 $0x7FFFFFFF, v7;
	(pc) =	sbr.rel @p0 .LBB2_2-.Ltmp2, $4  }
0x53: {  	v4 =	vsel vm0, v4, v5;
	v6 =	vsel vm1, v6, v7;
	v5 =	vld [tilespmem:s22+$0x60]  }
0x54: {  	vm0 =	vgt.s32 v4, v6;
	vm1 =	vlt.s32 v8, $0x0;
	v7 =	vxor.u32 $0x7FFFFFFF, v8  }
0x55: {  	v6 =	vsel vm0, v4, v6;
	v7 =	vsel vm1, v7, v8;
	v4 =	vld [tilespmem:s22+$0x70]  }
0x56: {  	s22 =	sadd.s32 $0x100, s22;
	vm0 =	vgt.s32 v6, v7;
	vm1 =	vlt.s32 v3, $0x0;
	v8 =	vxor.u32 $0x7FFFFFFF, v3  }
0x57: {  	v6 =	vsel vm0, v6, v7;
	v3 =	vsel vm1, v8, v3  }
0x58: {  	vm0 =	vgt.s32 v6, v3;
	vm14 =	vlt.s32 v5, $0x0;
	v62 =	vxor.u32 $0x7FFFFFFF, v5  }
0x59: {  	v3 =	vsel vm0, v6, v3;
	v5 =	vsel vm14, v62, v5  }
0x5a: {  	vm0 =	vgt.s32 v3, v5;
	vm15 =	vlt.s32 v4, $0x0;
	v63 =	vxor.u32 $0x7FFFFFFF, v4  }
0x5b: {  	v3 =	vsel vm0, v3, v5;
	v4 =	vsel vm15, v63, v4  }
0x5c: {  	vm0 =	vgt.s32 v3, v4  }
0x5d: {  	v3 =	vsel vm0, v3, v4  }
0x5e: {  	v3 =	vxor.u32 $0x80000000, v3  }
0x5f: {  	(xrf0) =	vmax.scan.msk.u32 $0xffff, v3;
	_ =	sdelay $0x5  }
0x60: {  	v3, _, _ =	vpop (xrf0)  }
0x61: {  	(v2sf) =	vpush v3, $0xF;
	_ =	sdelay $0xc  }
0x62: {  	s21 =	simm.s32 $0x0  }
0x63: {  	[tilespmem:s21], [sflag:$0x1] =	stream.strided.gather [hbm4b:s7+s11], $0x8000, s9, s11, $0x38;
	[tilespmem:$0x18300] =	vst v63  }
0x64: {  	s22 =	spop (v2sf)  }
0x65: {  	s22 =	smax.u32 s22, $0x800000  }
0x66: {  	s24 =	sadd.s32 $0x7F800000, s22  }
.LBB2_4:
0x67: {  	_ =	swait.ge [sflag:s10], $0x8000  }
0x68: {  	p0 =	sgt.s32 s24, $0x807FFFFF;
	[sflag:s10] =	ssyncset.done $0x0  }
0x69: {  	s24 =	simm.s32 @!p0 $0x807FFFFF;
	[sflag:s10] =	ssyncadd.s32 $0xFFFF8000  }
.LBB2_5:
0x6a: {  	s22 =	simm.s32 $0x80  }
0x6b: {  	v6 =	vld [tilespmem:s22+$0xFFFFFFC0]  }
0x6c: {  	v7 =	vld [tilespmem:s22+$0x30]  }
0x6d: {  	v8 =	vld [tilespmem:s22+$0x0]  }
0x6e: {  	v10 =	vld [tilespmem:s22+$0x50]  }
0x6f: {  	v11 =	vld [tilespmem:s22+$0xFFFFFFE0]  }
0x70: {  	v12 =	vld [tilespmem:s22+$0xFFFFFFF0]  }
0x71: {  	v14 =	vld [tilespmem:s22+$0x20]  }
0x72: {  	v3 =	vmov s24;
	s23 =	simm.s32 $0x30;
	v15 =	vld [tilespmem:s22+$0xFFFFFFA0]  }
0x73: {  	s25 =	simm.s32 $0xB0;
	s26 =	simm.s32 $0x50;
	s28 =	simm.s32 $0x80;
	vm0 =	vlt.s32 v3, $0x0;
	v3 =	vxor.u32 $0x7FFFFFFF, v3;
	v4 =	vor.u32 s23, v1;
	v19 =	vld [tilespmem:s22+$0xFFFFFF80]  }
0x74: {  	s31 =	simm.s32 $0xA0;
	v9 =	vor.u32 s25, v1;
	v16 =	vor.u32 s26, v1;
	v17 =	vor.u32 s28, v1;
	v22 =	vld [tilespmem:s22+$0xFFFFFFB0]  }
0x75: {  	s29 =	simm.s32 $0x60;
	v24 =	vor.u32 s31, v1;
	v5 =	vnsel vm0, s24, v3;
	v3 =	vimm.s32 $0x0  }
0x76: {  	s30 =	simm.s32 $0x90;
	vm0 =	vge.f32 v6, v5;
	vm12 =	vge.f32 v7, v5;
	v7 =	vor.u32 s29, v1  }
0x77: {  	v6 =	vor.u32 s30, v1;
	vm3 =	vge.f32 v10, v5;
	vm7 =	vge.f32 v11, v5  }
0x78: {  	v10 =	vld [tilespmem:s22+$0xFFFFFF90];
	vm5 =	vge.f32 v12, v5;
	vm13 =	vge.f32 v14, v5;
	vm4 =	vge.f32 v15, v5  }
0x79: {  	vm14 =	vge.f32 v8, v5;
	vm1 =	vge.f32 v19, v5;
	vm9 =	vge.f32 v22, v5  }
0x7a: {  	v11 =	vld [tilespmem:s22+$0x40];
	v13 =	vsel vm0, $0x1, v0;
	v18 =	vsel vm12, $0x1, v0;
	v20 =	vmpcnt.ones.xlane vm0  }
0x7b: {  	v8 =	vld [tilespmem:s22+$0x10];
	v21 =	vsel vm3, $0x1, v0;
	v23 =	vmpcnt.ones.xlane vm12;
	v25 =	vmpcnt.ones.xlane vm7  }
0x7c: {  	v15 =	vld [tilespmem:s22+$0xFFFFFFD0];
	v14 =	vmpcnt.ones.xlane vm3;
	v12 =	vsel vm13, $0x1, v0;
	v19 =	vsel vm14, $0x1, v0;
	(xrf0) =	vadd.scan.msk.s32 $0xffff, v21  }
0x7d: {  	v26 =	vmpcnt.ones.xlane vm14;
	(xrf0) =	vadd.scan.msk.s32 $0xffff, v19;
	vm2 =	vge.f32 v10, v5;
	v10 =	vsel vm4, $0x1, v0  }
0x7e: {  	v22 =	vld [tilespmem:s22+$0x70];
	v28 =	vmpcnt.ones.xlane vm4;
	v29 =	vmpcnt.ones.xlane vm9;
	v19 =	vsel vm2, $0x1, v0;
	(xrf0) =	vadd.scan.msk.s32 $0xffff, v10  }
0x7f: {  	v21 =	vsel vm7, $0x1, v0;
	vm6 =	vge.f32 v11, v5;
	v11 =	vld [tilespmem:s22+$0x60];
	v10 =	vmpcnt.ones.xlane vm1;
	(xrf0) =	vadd.scan.msk.s32 $0xffff, v19  }
0x80: {  	v31 =	vmpcnt.ones.xlane vm5;
	v56 =	vsel vm9, $0x1, v0;
	v27 =	vmpcnt.ones.xlane vm2;
	(xrf0) =	vadd.scan.msk.s32 $0xffff, v21  }
0x81: {  	vm10 =	vge.f32 v8, v5;
	vm15 =	vge.f32 v15, v5;
	v21 =	vadd.s32 v3, v10;
	(xrf0) =	vadd.scan.msk.s32 $0xffff, v18  }
0x82: {  	v19 =	vsel vm1, $0x1, v0;
	v10 =	vsel vm15, $0x1, v0;
	v53, _, _ =	vpop (xrf0);
	v8 =	vadd.s32 v21, v27;
	(xrf0) =	vadd.scan.msk.s32 $0xffff, v12  }
0x83: {  	vm8 =	vge.f32 v22, v5;
	v30 =	vsel vm6, $0x1, v0;
	v22, _, _ =	vpop (xrf0);
	v28 =	vadd.s32 v8, v28;
	(xrf0) =	vadd.scan.msk.s32 $0xffff, v10  }
0x84: {  	v18 =	vmpcnt.ones.xlane vm15;
	vm11 =	vge.f32 v11, v5;
	v10 =	vadd.s32 v28, v29;
	v12, _, _ =	vpop (xrf0);
	(xrf0) =	vadd.scan.msk.s32 $0xffff, v30  }
0x85: {  	v35 =	vmpcnt.ones.xlane vm13;
	v55 =	vsel vm11, $0x1, v0;
	v20 =	vadd.s32 v10, v20;
	(xrf0) =	vadd.scan.msk.s32 $0xffff, v19;
	v19, _, _ =	vpop (xrf0)  }
0x86: {  	v54 =	vmpcnt.ones.xlane vm6;
	v33 =	vsel vm8, $0x1, v0;
	v18 =	vadd.s32 v20, v18;
	v34, _, _ =	vpop (xrf0);
	(xrf0) =	vadd.scan.msk.s32 $0xffff, v55  }
0x87: {  	v32 =	vmpcnt.ones.xlane vm10;
	v57 =	vsel vm10, $0x1, v0;
	v25 =	vadd.s32 v18, v25;
	v36, _, _ =	vpop (xrf0);
	(xrf0) =	vadd.scan.msk.s32 $0xffff, v33  }
0x88: {  	v38 =	vadd.s32 v19, v21;
	v19 =	vadd.s32 v34, v18;
	v18 =	vadd.s32 v25, v31;
	(xrf0) =	vadd.scan.msk.s32 $0xffff, v56;
	v58, _, _ =	vpop (xrf0)  }
0x89: {  	v15 =	vsel vm5, $0x1, v0;
	v11 =	vmpcnt.ones.xlane vm8;
	v37 =	vmpcnt.ones.xlane vm11;
	v21, _, _ =	vpop (xrf0);
	(xrf0) =	vadd.scan.msk.s32 $0xffff, v57  }
0x8a: {  	v26 =	vadd.s32 v18, v26;
	v20 =	vadd.s32 v21, v20;
	v21 =	vadd.s32 v22, v18;
	v22, _, _ =	vpop (xrf0)  }
0x8b: {  	(xrf0) =	vadd.scan.msk.s32 $0xffff, v15;
	v20 =	vadd.s32 $0xFFFFFFFF, v20;
	v59 =	vadd.s32 $0xFFFFFFFF, v21;
	v21 =	vadd.s32 v26, v32;
	v18, _, _ =	vpop (xrf0)  }
0x8c: {  	v19 =	vadd.s32 $0xFFFFFFFF, v19;
	v15 =	vadd.s32 v58, v21;
	v21 =	vadd.s32 v21, v35;
	v60, _, _ =	vpop (xrf0)  }
0x8d: {  	v15 =	vadd.s32 $0xFFFFFFFF, v15;
	v61 =	vadd.s32 v36, v21;
	v21 =	vadd.s32 v21, v23;
	v62, _, _ =	vpop (xrf0)  }
0x8e: {  	v32 =	vadd.s32 $0xFFFFFFFF, v61;
	v63 =	vadd.s32 v22, v21;
	v21 =	vadd.s32 v21, v54;
	v22, _, _ =	vpop (xrf0)  }
0x8f: {  	(xrf0) =	vadd.scan.msk.s32 $0xffff, v13;
	v23 =	vadd.s32 v22, v28;
	v22 =	vadd.s32 v53, v21;
	v14 =	vadd.s32 v21, v14;
	v13, _, _ =	vpop (xrf0)  }
0x90: {  	v21 =	vadd.s32 $0xFFFFFFFF, v23;
	[tilespmem:v20+s12+$0x0] =	vst.idx.msk vm15, v16;
	v13 =	vadd.s32 v13, v26;
	v23 =	vadd.s32 v14, v37  }
0x91: {  	[tilespmem:v59+s12+$0x0] =	vst.idx.msk vm14, v17;
	v17, _, _ =	vpop (xrf0);
	v16 =	vadd.s32 $0xFFFFFFFF, v13;
	v13 =	vadd.s32 v60, v14;
	v14 =	vadd.s32 v62, v23  }
0x92: {  	s23 =	simm.s32 $0xF0;
	v17 =	vadd.s32 v17, v25;
	[tilespmem:v15+s12+$0x0] =	vst.idx.msk vm13, v24;
	v20 =	vadd.s32 $0xFFFFFFFF, v13;
	v14 =	vadd.s32 $0xFFFFFFFF, v14  }
0x93: {  	s25 =	simm.s32 $0x180;
	s24 =	simm.s32 $0x0;
	s22 =	simm.s32 $0xF0;
	v15 =	vadd.s32 $0xFFFFFFFF, v38;
	v13 =	vadd.s32 $0xFFFFFFFF, v17;
	v17 =	vadd.s32 $0xFFFFFFFF, v63;
	[tilespmem:v32+s12+$0x0] =	vst.idx.msk vm12, v9  }
.LBB2_6:
0x94: {  	v24 =	vld [tilespmem:s25+$0xFFFFFFC0];
	s24 =	sadd.s32 $0x10, s24;
	v3 =	vadd.s32 v18, v3;
	v8 =	vadd.s32 v12, v8;
	[tilespmem:v19+s12+$0x0] =	vst.idx.msk vm7, v7;
	v7 =	vadd.s32 $0xFFFFFFFF, v22;
	s23 =	sadd.s32 $0x100, s23  }
0x95: {  	s28 =	sadd.s32 $0xFFFFFFF0, s22;
	s26 =	sadd.s32 $0xFFFFFF40, s23;
	v12 =	vld [tilespmem:s25+$0x40];
	p0 =	slt.u32 s24, $0x7F0;
	v18 =	vadd.s32 $0xFFFFFFFF, v3;
	v8 =	vadd.s32 $0xFFFFFFFF, v8;
	[tilespmem:v21+s12+$0x0] =	vst.idx.msk vm9, v4;
	v3 =	vadd.s32 v23, v11;
	v9, _, _ =	vpop (xrf0)  }
0x96: {  	v4 =	vor.u32 s26, v1;
	v11 =	vld [tilespmem:s25+$0x30];
	v9 =	vadd.s32 v9, v10;
	s26 =	sadd.s32 $0xFFFFFF80, s22;
	[tilespmem:v16+s12+$0x0] =	vst.idx.msk vm10, v6;
	v6 =	vor.u32 s28, v1  }
0x97: {  	vm7 =	vmmov vm0;
	s28 =	sadd.s32 $0xFFFFFFC0, s23;
	v10 =	vld [tilespmem:s25+$0x0];
	v19 =	vadd.s32 $0xFFFFFFFF, v9;
	v16 =	vor.u32 s26, v1;
	s26 =	sadd.s32 $0xFFFFFFE0, s22;
	[tilespmem:v20+s12+$0x0] =	vst.idx.msk vm11, v6  }
0x98: {  	v9 =	vor.u32 s28, v1;
	s28 =	sadd.s32 $0xFFFFFF20, s22;
	v20 =	vld [tilespmem:s25+$0x50];
	[tilespmem:v13+s12+$0x0] =	vst.idx.msk vm5, v16;
	v6 =	vor.u32 s26, v1  }
0x99: {  	s26 =	sadd.s32 $0xFFFFFF10, s22;
	v22 =	vor.u32 s28, v1;
	s28 =	sadd.s32 $0xFFFFFF30, s22;
	vm0 =	vge.f32 v24, v5;
	v21 =	vld [tilespmem:s25+$0xFFFFFFE0];
	[tilespmem:v7+s12+$0x0] =	vst.idx.msk vm3, v6;
	v6 =	vor.u32 s22, v1  }
0x9a: {  	v24 =	vor.u32 s26, v1;
	v7 =	vor.u32 s28, v1;
	s26 =	sadd.s32 $0xFFFFFF50, s22;
	s28 =	sadd.s32 $0xFFFFFFD0, s22;
	s22 =	smov.u32 s23;
	v13 =	vsel vm0, $0x1, v0;
	v23 =	vld [tilespmem:s25+$0xFFFFFFF0];
	[tilespmem:v14+s12+$0x0] =	vst.idx.msk vm8, v6  }
0x9b: {  	s29 =	sadd.s32 $0xFFFFFF60, s23;
	s30 =	sadd.s32 $0xFFFFFF90, s23;
	v6 =	vor.u32 s28, v1;
	v25 =	vld [tilespmem:s25+$0x20];
	vm12 =	vge.f32 v11, v5;
	[tilespmem:v8+s12+$0x0] =	vst.idx.msk vm4, v7;
	v8 =	vor.u32 s26, v1  }
0x9c: {  	v16 =	vor.u32 s29, v1;
	v14 =	vor.u32 s30, v1;
	s28 =	sadd.s32 $0xFFFFFFA0, s23;
	s26 =	sadd.s32 $0xFFFFFF70, s23;
	v11 =	vld [tilespmem:s25+$0xFFFFFFA0];
	v26 =	vsel vm12, $0x1, v0;
	[tilespmem:v17+s12+$0x0] =	vst.idx.msk vm6, v6  }
0x9d: {  	v7 =	vor.u32 s26, v1;
	v6 =	vor.u32 s28, v1;
	s26 =	sadd.s32 $0xFFFFFFB0, s23;
	v27 =	vld [tilespmem:s25+$0xFFFFFF80];
	vm3 =	vge.f32 v20, v5;
	[tilespmem:v19+s12+$0x0] =	vst.idx.msk vm7, v8  }
0x9e: {  	v19 =	vmpcnt.ones.xlane vm0;
	v17 =	vor.u32 s26, v1;
	v8 =	vld [tilespmem:s25+$0xFFFFFF90];
	v20 =	vsel vm3, $0x1, v0;
	[tilespmem:v18+s12+$0x0] =	vst.idx.msk vm1, v24  }
0x9f: {  	vm7 =	vge.f32 v21, v5;
	v21 =	vmpcnt.ones.xlane vm12;
	v18 =	vld [tilespmem:s25+$0xFFFFFFB0];
	vm5 =	vge.f32 v23, v5;
	[tilespmem:v15+s12+$0x0] =	vst.idx.msk vm2, v22  }
0xa0: {  	v15 =	vmpcnt.ones.xlane vm7;
	v23 =	vmpcnt.ones.xlane vm3;
	vm13 =	vge.f32 v25, v5  }
0xa1: {  	vm14 =	vge.f32 v10, v5;
	vm4 =	vge.f32 v11, v5;
	v10 =	vld [tilespmem:s25+$0x10];
	v11 =	vsel vm13, $0x1, v0  }
0xa2: {  	v24 =	vsel vm14, $0x1, v0;
	v25 =	vmpcnt.ones.xlane vm14;
	vm1 =	vge.f32 v27, v5;
	v22 =	vld [tilespmem:s25+$0xFFFFFFD0];
	(xrf0) =	vadd.scan.msk.s32 $0xffff, v20  }
0xa3: {  	v20 =	vsel vm7, $0x1, v0;
	vm2 =	vge.f32 v8, v5;
	v8 =	vsel vm4, $0x1, v0;
	(xrf0) =	vadd.scan.msk.s32 $0xffff, v24  }
0xa4: {  	v24 =	vsel vm2, $0x1, v0;
	v27 =	vmpcnt.ones.xlane vm2;
	vm9 =	vge.f32 v18, v5;
	v18 =	vld [tilespmem:s25+$0x70];
	(xrf0) =	vadd.scan.msk.s32 $0xffff, v8  }
0xa5: {  	vm6 =	vge.f32 v12, v5;
	v28 =	vmpcnt.ones.xlane vm4;
	v8 =	vmpcnt.ones.xlane vm1;
	v12 =	vld [tilespmem:s25+$0x60];
	(xrf0) =	vadd.scan.msk.s32 $0xffff, v24  }
0xa6: {  	v24 =	vsel vm1, $0x1, v0;
	v29 =	vmpcnt.ones.xlane vm9;
	vm10 =	vge.f32 v10, v5;
	(xrf0) =	vadd.scan.msk.s32 $0xffff, v20  }
0xa7: {  	v20 =	vadd.s32 v3, v8;
	vm15 =	vge.f32 v22, v5;
	v22 =	vsel vm5, $0x1, v0;
	(xrf0) =	vadd.scan.msk.s32 $0xffff, v26  }
0xa8: {  	v8 =	vadd.s32 v20, v27;
	v10 =	vsel vm15, $0x1, v0;
	v26 =	vmpcnt.ones.xlane vm15;
	(xrf0) =	vadd.scan.msk.s32 $0xffff, v11;
	v27, _, _ =	vpop (xrf0)  }
0xa9: {  	v30 =	vsel vm6, $0x1, v0;
	v28 =	vadd.s32 v8, v28;
	vm8 =	vge.f32 v18, v5;
	(xrf0) =	vadd.scan.msk.s32 $0xffff, v10;
	v18, _, _ =	vpop (xrf0)  }
0xaa: {  	v31 =	vmpcnt.ones.xlane vm5;
	vm11 =	vge.f32 v12, v5;
	v11 =	vmpcnt.ones.xlane vm8;
	v12, _, _ =	vpop (xrf0);
	(xrf0) =	vadd.scan.msk.s32 $0xffff, v30  }
0xab: {  	v10 =	vadd.s32 v28, v29;
	v29 =	vmpcnt.ones.xlane vm6;
	v30 =	vsel vm11, $0x1, v0;
	(xrf0) =	vadd.scan.msk.s32 $0xffff, v24;
	v24, _, _ =	vpop (xrf0)  }
0xac: {  	v32 =	vmpcnt.ones.xlane vm10;
	v19 =	vadd.s32 v10, v19;
	v33 =	vsel vm8, $0x1, v0;
	v34, _, _ =	vpop (xrf0);
	(xrf0) =	vadd.scan.msk.s32 $0xffff, v30  }
0xad: {  	v35 =	vmpcnt.ones.xlane vm13;
	v38 =	vsel vm9, $0x1, v0;
	v26 =	vadd.s32 v19, v26;
	v36, _, _ =	vpop (xrf0);
	(xrf0) =	vadd.scan.msk.s32 $0xffff, v33  }
0xae: {  	v37 =	vmpcnt.ones.xlane vm11;
	v15 =	vadd.s32 v26, v15;
	v33 =	vsel vm10, $0x1, v0;
	(xrf0) =	vadd.scan.msk.s32 $0xffff, v38;
	v30, _, _ =	vpop (xrf0)  }
0xaf: {  	v24 =	vadd.s32 v24, v20;
	v20 =	vadd.s32 v34, v26;
	v34 =	vadd.s32 v15, v31;
	v31, _, _ =	vpop (xrf0);
	(xrf0) =	vadd.scan.msk.s32 $0xffff, v33  }
0xb0: {  	v38 =	vadd.s32 v18, v34;
	v25 =	vadd.s32 v34, v25;
	v19 =	vadd.s32 v31, v19;
	v26, _, _ =	vpop (xrf0)  }
0xb1: {  	v33 =	vadd.s32 $0xFFFFFFFF, v38;
	v32 =	vadd.s32 v25, v32;
	v31 =	vadd.s32 $0xFFFFFFFF, v19;
	v18, _, _ =	vpop (xrf0);
	(xrf0) =	vadd.scan.msk.s32 $0xffff, v22  }
0xb2: {  	v35 =	vadd.s32 v32, v35;
	v19 =	vadd.s32 $0xFFFFFFFF, v20;
	v20 =	vadd.s32 v30, v32;
	v30, _, _ =	vpop (xrf0)  }
0xb3: {  	v32 =	vadd.s32 v36, v35;
	v21 =	vadd.s32 v35, v21;
	v20 =	vadd.s32 $0xFFFFFFFF, v20;
	v34, _, _ =	vpop (xrf0)  }
0xb4: {  	v32 =	vadd.s32 $0xFFFFFFFF, v32;
	v26 =	vadd.s32 v26, v21;
	v21 =	vadd.s32 v21, v29;
	v22, _, _ =	vpop (xrf0)  }
.Ltmp3:
0xb5: {  	v28 =	vadd.s32 v22, v28;
	v22 =	vadd.s32 v27, v21;
	v27 =	vadd.s32 v21, v23;
	(xrf0) =	vadd.scan.msk.s32 $0xffff, v13;
	v13, _, _ =	vpop (xrf0);
	(pc) =	sbr.rel @p0 .LBB2_6-.Ltmp3, $4  }
0xb6: {  	v21 =	vadd.s32 $0xFFFFFFFF, v28;
	[tilespmem:v31+s12+$0x0] =	vst.idx.msk vm15, v16;
	v13 =	vadd.s32 v13, v25;
	v23 =	vadd.s32 v27, v37  }
0xb7: {  	[tilespmem:v33+s12+$0x0] =	vst.idx.msk vm14, v14;
	v16 =	vadd.s32 $0xFFFFFFFF, v13;
	v13 =	vadd.s32 v30, v27;
	v14 =	vadd.s32 v34, v23;
	v25, _, _ =	vpop (xrf0)  }
0xb8: {  	v25 =	vadd.s32 v25, v15;
	[tilespmem:v20+s12+$0x0] =	vst.idx.msk vm13, v17;
	v20 =	vadd.s32 $0xFFFFFFFF, v13;
	v14 =	vadd.s32 $0xFFFFFFFF, v14  }
0xb9: {  	s25 =	sadd.s32 $0x100, s25;
	v15 =	vadd.s32 $0xFFFFFFFF, v24;
	v17 =	vadd.s32 $0xFFFFFFFF, v26;
	v13 =	vadd.s32 $0xFFFFFFFF, v25;
	[tilespmem:v32+s12+$0x0] =	vst.idx.msk vm12, v9  }
0xba: {  	v5 =	vadd.s32 v23, v11  }
0xbb: {  	v5 =	vxor.u32 $0x80000000, v5  }
0xbc: {  	(xrf0) =	vmax.scan.msk.u32 $0xffff, v5;
	_ =	sdelay $0x4  }
0xbd: {  	v52, _, _ =	vpop (xrf0)  }
0xbe: {  	v9, _, _ =	vpop (xrf0)  }
0xbf: {  	(v2sf) =	vpush v9, $0xF;
	_ =	sdelay $0xa  }
0xc0: {  	[tilespmem:v19+s12+$0x0] =	vst.idx.msk vm7, v7  }
0xc1: {  	[tilespmem:v21+s12+$0x0] =	vst.idx.msk vm9, v4  }
0xc2: {  	v53 =	vadd.s32 $0xFFFFFFFF, v22;
	v8 =	vadd.s32 v12, v8;
	s23 =	sadd.s32 $0xFFFFFFF0, s22;
	[tilespmem:v16+s12+$0x0] =	vst.idx.msk vm10, v6;
	v58 =	vor.u32 s22, v1  }
0xc3: {  	s24 =	sadd.s32 $0xFFFFFF80, s22;
	s25 =	sadd.s32 $0xFFFFFFE0, s22;
	vm0 =	vmmov vm0;
	v3 =	vadd.s32 v18, v3;
	v55 =	vor.u32 s23, v1;
	[tilespmem:v14+s12+$0x0] =	vst.idx.msk vm8, v58  }
0xc4: {  	s28 =	sadd.s32 $0xFFFFFFD0, s22;
	v54 =	vadd.s32 $0xFFFFFFFF, v8;
	v56 =	vor.u32 s24, v1;
	v57 =	vor.u32 s25, v1;
	[tilespmem:v20+s12+$0x0] =	vst.idx.msk vm11, v55;
	s25 =	spop (v2sf)  }
0xc5: {  	s31 =	sadd.s32 $0xFFFFFF20, s22;
	v3 =	vadd.s32 $0xFFFFFFFF, v3;
	v60 =	vor.u32 s28, v1;
	v5 =	vadd.s32 v52, v10;
	[tilespmem:v13+s12+$0x0] =	vst.idx.msk vm5, v56;
	s23 =	sxor.u32 $0x80000000, s25  }
0xc6: {  	v63 =	vor.u32 s31, v1;
	[tilespmem:v17+s12+$0x0] =	vst.idx.msk vm6, v60;
	v5 =	vadd.s32 $0xFFFFFFFF, v5;
	p0 =	slt.s32 s23, $0x40  }
.Ltmp4:
0xc7: {  	s26 =	sadd.s32 $0xFFFFFF30, s22;
	[tilespmem:v15+s12+$0x0] =	vst.idx.msk vm2, v63;
	(pc) =	sbr.rel @p0 .LBB2_5-.Ltmp4, $4  }
0xc8: {  	s30 =	sadd.s32 $0xFFFFFF10, s22;
	v59 =	vor.u32 s26, v1;
	[tilespmem:v53+s12+$0x0] =	vst.idx.msk vm3, v57  }
0xc9: {  	s29 =	sadd.s32 $0xFFFFFF50, s22;
	v62 =	vor.u32 s30, v1;
	[tilespmem:v54+s12+$0x0] =	vst.idx.msk vm4, v59  }
0xca: {  	v61 =	vor.u32 s29, v1;
	[tilespmem:v3+s12+$0x0] =	vst.idx.msk vm1, v62  }
0xcb: {  	s24 =	simm.s32 $0x807FFFFF;
	[tilespmem:v5+s12+$0x0] =	vst.idx.msk vm0, v61  }
0xcc: {  	s22 =	sadd.s32 $0x8000003F, s25  }
0xcd: {  	s24 =	sand.u32 $0x3F, s22  }
0xce: {  	s31 =	sshra.s32 s22, $0x1F;
	p1 =	slt.s32 s22, $0x0;
	p0 =	sne.s32 s24, $0x0  }
0xcf: {  	s24 =	sshrl.u32 s31, $0x1A;
	p0 =	por !p1, !p0  }
0xd0: {  	v6 =	vadd.s32 s23, v1;
	v5 =	vor.u32 $0x10, v1;
	s22 =	sadd.s32 s24, s22;
	s24 =	simm.s32 $0x1;
	p0 =	por !p0, !p0  }
0xd1: {  	v4 =	vor.u32 $0x20, v1;
	v7 =	vadd.s32 s23, v5;
	s22 =	sshra.s32 s22, $0x6;
	s24 =	simm.s32 @!p0 $0x0  }
0xd2: {  	v3 =	vor.u32 $0x30, v1;
	v8 =	vadd.s32 s23, v4;
	s22 =	ssub.s32 s22, s24  }
0xd3: {  	v9 =	vadd.s32 s23, v3;
	p0 =	slt.s32 s22, $0x1  }
.Ltmp5:
0xd4: {  	_ = 	snop;
	(pc) =	sbr.rel @p0 .LBB2_16-.Ltmp5, $4  }
0xd5: {  	[tilespmem:v6+s12+$0x0] =	vst.idx.msk $0xffff, v0  }
0xd6: {  	[tilespmem:v7+s12+$0x0] =	vst.idx.msk $0xffff, v0  }
0xd7: {  	[tilespmem:v8+s12+$0x0] =	vst.idx.msk $0xffff, v0  }
0xd8: {  	s26 =	sshll.u32 s22, $0x2;
	[tilespmem:v9+s12+$0x0] =	vst.idx.msk $0xffff, v0  }
0xd9: {  	s24 =	simm.s32 $0x8020  }
0xda: {  	v10 =	vld [tilespmem:s24+$0x10];
	_ =	sdelay $0x2  }
0xdb: {  	p2 =	sgt.s32 s26, $0x4  }
.Ltmp6:
0xdc: {  	_ = 	snop;
	(pc) =	sbr.rel @!p2 .LBB2_10-.Ltmp6, $4  }
0xdd: {  	v18 =	vld [tilespmem:s24+$0xFFFFFFF0]  }
0xde: {  	v17 =	vld [tilespmem:s24+$0x0]  }
0xdf: {  	v19 =	vld [tilespmem:s24+$0xFFFFFFE0]  }
0xe0: {  	s22 =	simm.s32 $0x100A0;
	p1 =	por $0x0, $0x0;
	s24 =	simm.s32 $0x8060;
	v10 =	vld.idx.msk [tilespmem:v10+s3+$0x0], $0xffff  }
0xe1: {  	_ =	sdelay $0x1  }
0xe2: {  	v20 =	vld [tilespmem:s24+$0x10];
	_ =	sdelay $0x1  }
0xe3: {  	v15 =	vld [tilespmem:s24+$0xFFFFFFF0]  }
0xe4: {  	v14 =	vld [tilespmem:s24+$0x0];
	p2 =	sgt.s32 s26, $0x8  }
.Ltmp7:
0xe5: {  	v16 =	vld [tilespmem:s24+$0xFFFFFFE0];
	(pc) =	sbr.rel @!p2 .LBB2_12-.Ltmp7, $4  }
0xe6: {  	v13 =	vld.idx.msk [tilespmem:v19+s3+$0x0], $0xffff  }
0xe7: {  	v11 =	vld.idx.msk [tilespmem:v18+s3+$0x0], $0xffff;
	vm0 =	vlt.s32 v10, $0x0;
	v18 =	vxor.u32 $0x7FFFFFFF, v10  }
0xe8: {  	s28 =	simm.s32 $0x8;
	v12 =	vld.idx.msk [tilespmem:v17+s3+$0x0], $0xffff;
	v10 =	vsel vm0, v18, v10  }
0xe9: {  	s29 =	simm.s32 $0x80A0;
	p1 =	por $0x1, $0x1;
	s24 =	simm.s32 $0x100A0;
	[tilespmem:s22+$0x10] =	vst v10;
	v10 =	vld.idx.msk [tilespmem:v20+s3+$0x0], $0xffff  }
.LBB2_13:
0xea: {  	v17 =	vld [tilespmem:s29+$0x10];
	s28 =	sadd.s32 $0x4, s28  }
0xeb: {  	vm0 =	vlt.s32 v13, $0x0;
	v19 =	vxor.u32 $0x7FFFFFFF, v13;
	v18 =	vld [tilespmem:s29+$0xFFFFFFF0];
	p2 =	slt.s32 s28, s26  }
0xec: {  	v13 =	vsel vm0, v19, v13;
	vm0 =	vlt.s32 v11, $0x0;
	v19 =	vxor.u32 $0x7FFFFFFF, v11;
	v20 =	vld [tilespmem:s29+$0x0]  }
0xed: {  	v11 =	vsel vm0, v19, v11;
	vm0 =	vlt.s32 v12, $0x0;
	v19 =	vxor.u32 $0x7FFFFFFF, v12;
	v21 =	vld [tilespmem:s29+$0xFFFFFFE0];
	[tilespmem:s24+$0xFFFFFFE0] =	vst v13  }
.Ltmp8:
0xee: {  	v12 =	vsel vm0, v19, v12;
	v13 =	vld.idx.msk [tilespmem:v16+s3+$0x0], $0xffff;
	[tilespmem:s24+$0xFFFFFFF0] =	vst v11;
	(pc) =	sbr.rel @p2 .LBB2_13-.Ltmp8, $4  }
0xef: {  	vm0 =	vlt.s32 v10, $0x0;
	v16 =	vxor.u32 $0x7FFFFFFF, v10;
	v11 =	vld.idx.msk [tilespmem:v15+s3+$0x0], $0xffff;
	[tilespmem:s24+$0x0] =	vst v12  }
0xf0: {  	v10 =	vsel vm0, v16, v10;
	s24 =	sadd.s32 $0x40, s24;
	v12 =	vld.idx.msk [tilespmem:v14+s3+$0x0], $0xffff;
	v15 =	vmov v18  }
0xf1: {  	[tilespmem:s24+$0x10] =	vst v10;
	v14 =	vmov v20  }
0xf2: {  	s29 =	sadd.s32 $0x40, s29;
	v10 =	vld.idx.msk [tilespmem:v17+s3+$0x0], $0xffff;
	v16 =	vmov v21  }
0xf3: {  	v19 =	vmov v16;
	v18 =	vmov v15;
	v17 =	vmov v14  }
.LBB2_15:
0xf4: {  	_ =	sdelay $0x3  }
0xf5: {  	v14 =	vld.idx.msk [tilespmem:v19+s3+$0x0], $0xffff  }
0xf6: {  	vm0 =	vlt.s32 @p1 v13, $0x0;
	v15 =	vxor.u32 @p1 $0x7FFFFFFF, v13;
	v16 =	vld.idx.msk [tilespmem:v18+s3+$0x0], $0xffff  }
0xf7: {  	v17 =	vld.idx.msk [tilespmem:v17+s3+$0x0], $0xffff;
	v13 =	vsel @p1 vm0, v15, v13;
	vm0 =	vlt.s32 @p1 v11, $0x0;
	v15 =	vxor.u32 @p1 $0x7FFFFFFF, v11  }
0xf8: {  	[tilespmem:s24+$0xFFFFFFE0] =	vst @p1 v13;
	v11 =	vsel @p1 vm0, v15, v11;
	vm0 =	vlt.s32 @p1 v12, $0x0;
	v13 =	vxor.u32 @p1 $0x7FFFFFFF, v12  }
0xf9: {  	s28 =	sadd.s32 @p1 $0x40, s24;
	[tilespmem:s24+$0xFFFFFFF0] =	vst @p1 v11;
	v11 =	vsel @p1 vm0, v13, v12;
	vm12 =	vlt.s32 v10, $0x0;
	v63 =	vxor.u32 $0x7FFFFFFF, v10  }
0xfa: {  	s22 =	smov.u32 @p1 s28;
	[tilespmem:s24+$0x0] =	vst @p1 v11;
	v10 =	vsel vm12, v63, v10;
	vm13 =	vlt.s32 v14, $0x0;
	v11 =	vxor.u32 $0x7FFFFFFF, v14  }
0xfb: {  	[tilespmem:s22+$0x10] =	vst v10;
	vm14 =	vlt.s32 v16, $0x0;
	v10 =	vsel vm13, v11, v14;
	v11 =	vxor.u32 $0x7FFFFFFF, v16  }
0xfc: {  	vm15 =	vlt.s32 v17, $0x0;
	[tilespmem:s22+$0xFFFFFFE0] =	vst v10;
	v10 =	vsel vm14, v11, v16;
	v11 =	vxor.u32 $0x7FFFFFFF, v17  }
0xfd: {  	[tilespmem:s22+$0xFFFFFFF0] =	vst v10;
	v10 =	vsel vm15, v11, v17  }
0xfe: {  	[tilespmem:s22+$0x0] =	vst v10  }
.LBB2_16:
0xff: {  	s22 =	sor.u32 s4, s21  }
0x100: {  	p1 =	seq.s32 s21, $0x1F;
	s24 =	sadd.s32 $0x1, s22  }
0x101: {  	s24 =	smov.u32 @p1 s4  }
0x102: {  	s28 =	sshll.u32 s24, $0x4  }
0x103: {  	s24 =	sshll.u32 s24, $0xC;
	s28 =	sand.u32 $0x70, s28  }
0x104: {  	s24 =	sand.u32 $0xFFF8000, s24;
	s28 =	sadd.s32 s1, s28  }
0x105: {  	s24 =	sadd.s32 s24, s28;
	s28 =	simm.s32 $0x0  }
0x106: {  	[tilespmem:s28], [sflag:$0x1] =	stream.strided.gather [hbm4b:s24+s11], $0x8000, s9, s11, $0x38;
	[tilespmem:$0x18300] =	vst v63  }
.Ltmp9:
0x107: {  	_ = 	snop;
	(pc) =	sbr.rel .LBB2_17-.Ltmp9, $4  }
0x108: {  	[tilespmem:v6+s13+$0x0] =	vst.idx.msk $0xffff, v2  }
0x109: {  	[tilespmem:v7+s13+$0x0] =	vst.idx.msk $0xffff, v2  }
0x10a: {  	s31 =	sshll.u32 s21, $0x4;
	[tilespmem:v8+s13+$0x0] =	vst.idx.msk $0xffff, v2  }
0x10b: {  	s24 =	sand.u32 $0x70, s31;
	v7 =	vmov s23;
	s23 =	simm.s32 $0x80000000;
	[tilespmem:v9+s13+$0x0] =	vst.idx.msk $0xffff, v2  }
.LBB2_18:
0x10c: {  	v6 =	vimm.s32 $0x0  }
.LBB2_19:
0x10d: {  	(xrf0) =	vadd.scan.msk.s32 $0xffff, v6;
	_ =	sdelay $0x5  }
0x10e: {  	v6, _, _ =	vpop (xrf0)  }
0x10f: {  	(v2sf) =	vpush v6, $0xF;
	_ =	sdelay $0xa  }
0x110: {  	s28 =	sadd.s32 $0x1, s28  }
0x111: {  	p2 =	seq.s32 s28, $0x20  }
.Ltmp10:
0x112: {  	_ = 	snop;
	(pc) =	sbr.rel @p2 .LBB2_20-.Ltmp10, $4  }
0x113: {  	_ = 	snop  }
0x114: {  	s30 =	spop (v2sf)  }
0x115: {  	p1 =	sgt.s32 s30, $0x3F  }
0x116: {  	s23 =	smov.u32 @p1 s29  }
.LBB2_17:
.Ltmp11:
0x117: {  	(pc) =	sbr.rel @p0 .LBB2_18-.Ltmp11, $3  }
0x118: {  	_ =	sdelay $0x1  }
0x119: {  	s29 =	sshrl.u32 s14, s28  }
0x11a: {  	s29 =	sadd.s32 s29, s23  }
0x11b: {  	p2 =	sgt.s32 s26, $0x4  }
.Ltmp12:
0x11c: {  	s30 =	simm.s32 $0x100A0;
	(pc) =	sbr.rel @!p2 .LBB2_25-.Ltmp12, $4  }
0x11d: {  	v12 =	vld [tilespmem:s30+$0xFFFFFFE0]  }
0x11e: {  	v11 =	vld [tilespmem:s30+$0xFFFFFFF0]  }
0x11f: {  	v10 =	vld [tilespmem:s30+$0x0]  }
0x120: {  	v6 =	vmov s29;
	v8 =	vimm.s32 $0x0;
	p1 =	por $0x0, $0x0;
	v9 =	vld [tilespmem:s30+$0x10]  }
0x121: {  	p2 =	sgt.s32 s26, $0x8  }
.Ltmp13:
0x122: {  	s30 =	simm.s32 $0x100E0;
	vm0 =	vge.s32 v12, v6;
	(pc) =	sbr.rel @!p2 .LBB2_28-.Ltmp13, $4  }
0x123: {  	v12 =	vld [tilespmem:s30+$0xFFFFFFE0];
	v13 =	vsel vm0, $0x1, v0;
	vm13 =	vge.s32 v11, v6  }
0x124: {  	v11 =	vld [tilespmem:s30+$0xFFFFFFF0];
	v13 =	vadd.s32 v13, v8;
	v14 =	vsel vm13, $0x1, v0;
	vm14 =	vge.s32 v10, v6  }
0x125: {  	v10 =	vld [tilespmem:s30+$0x0];
	v13 =	vadd.s32 v14, v13;
	v14 =	vsel vm14, $0x1, v0;
	vm15 =	vge.s32 v9, v6  }
0x126: {  	s31 =	simm.s32 $0x8;
	p1 =	por $0x1, $0x1;
	v9 =	vld [tilespmem:s30+$0x10];
	v13 =	vadd.s32 v14, v13;
	v14 =	vsel vm15, $0x1, v0  }
.LBB2_27:
0x127: {  	s31 =	sadd.s32 $0x4, s31  }
0x128: {  	v13 =	vadd.s32 v14, v13;
	p2 =	slt.s32 s31, s26  }
.Ltmp14:
0x129: {  	s30 =	sadd.s32 $0x40, s30;
	vm0 =	vge.s32 v12, v6;
	(pc) =	sbr.rel @p2 .LBB2_27-.Ltmp14, $4  }
0x12a: {  	v12 =	vld [tilespmem:s30+$0xFFFFFFE0];
	v14 =	vsel vm0, $0x1, v0;
	vm0 =	vge.s32 v11, v6  }
0x12b: {  	v11 =	vld [tilespmem:s30+$0xFFFFFFF0];
	v13 =	vadd.s32 v14, v13;
	v14 =	vsel vm0, $0x1, v0;
	vm0 =	vge.s32 v10, v6  }
0x12c: {  	v10 =	vld [tilespmem:s30+$0x0];
	v13 =	vadd.s32 v14, v13;
	v14 =	vsel vm0, $0x1, v0;
	vm0 =	vge.s32 v9, v6  }
0x12d: {  	v9 =	vld [tilespmem:s30+$0x10];
	v13 =	vadd.s32 v14, v13;
	v14 =	vsel vm0, $0x1, v0  }
.LBB2_28:
0x12e: {  	_ = 	snop  }
0x12f: {  	v13 =	vadd.s32 @p1 v14, v13;
	vm0 =	vge.s32 v12, v6  }
.Ltmp15:
0x130: {  	v8 =	vpsel p1, v13, v8;
	v12 =	vsel vm0, $0x1, v0;
	vm13 =	vge.s32 v11, v6;
	(pc) =	sbr.rel .LBB2_19-.Ltmp15, $4  }
0x131: {  	v8 =	vadd.s32 v12, v8;
	v11 =	vsel vm13, $0x1, v0;
	vm14 =	vge.s32 v10, v6  }
0x132: {  	v8 =	vadd.s32 v11, v8;
	v10 =	vsel vm14, $0x1, v0;
	vm15 =	vge.s32 v9, v6  }
0x133: {  	v6 =	vadd.s32 v10, v8;
	v8 =	vsel vm15, $0x1, v0  }
0x134: {  	v6 =	vadd.s32 v8, v6  }
.LBB2_25:
.Ltmp16:
0x135: {  	(pc) =	sbr.rel .LBB2_28-.Ltmp16, $2  }
0x136: {  	_ =	sdelay $0x2  }
0x137: {  	_ = 	snop  }
.LBB2_20:
.Ltmp17:
0x138: {  	(pc) =	sbr.rel @p0 .LBB2_21-.Ltmp17, $2  }
0x139: {  	_ =	sdelay $0x2  }
0x13a: {  	v6 =	vmov s23;
	v8 =	vimm.s32 $0x0  }
0x13b: {  	p1 =	sgt.s32 s26, $0x4  }
.Ltmp18:
0x13c: {  	s28 =	simm.s32 $0x100A0;
	(pc) =	sbr.rel @!p1 .LBB2_30-.Ltmp18, $4  }
0x13d: {  	v12 =	vld [tilespmem:s28+$0xFFFFFFE0]  }
0x13e: {  	v11 =	vld [tilespmem:s28+$0xFFFFFFF0]  }
0x13f: {  	v10 =	vld [tilespmem:s28+$0x0]  }
0x140: {  	p0 =	por $0x0, $0x0;
	v9 =	vld [tilespmem:s28+$0x10]  }
0x141: {  	p1 =	sgt.s32 s26, $0x8  }
.Ltmp19:
0x142: {  	s28 =	simm.s32 $0x100E0;
	vm0 =	vgt.s32 v12, v6;
	(pc) =	sbr.rel @!p1 .LBB2_33-.Ltmp19, $4  }
0x143: {  	v12 =	vld [tilespmem:s28+$0xFFFFFFE0];
	v13 =	vsel vm0, $0x1, v0;
	vm13 =	vgt.s32 v11, v6  }
0x144: {  	v11 =	vld [tilespmem:s28+$0xFFFFFFF0];
	v13 =	vadd.s32 v13, v8;
	v14 =	vsel vm13, $0x1, v0;
	vm14 =	vgt.s32 v10, v6  }
0x145: {  	v10 =	vld [tilespmem:s28+$0x0];
	v13 =	vadd.s32 v14, v13;
	v14 =	vsel vm14, $0x1, v0;
	vm15 =	vgt.s32 v9, v6  }
0x146: {  	s29 =	simm.s32 $0x8;
	p0 =	por $0x1, $0x1;
	v9 =	vld [tilespmem:s28+$0x10];
	v13 =	vadd.s32 v14, v13;
	v14 =	vsel vm15, $0x1, v0  }
.LBB2_32:
0x147: {  	s29 =	sadd.s32 $0x4, s29  }
0x148: {  	v13 =	vadd.s32 v14, v13;
	p1 =	slt.s32 s29, s26  }
.Ltmp20:
0x149: {  	s28 =	sadd.s32 $0x40, s28;
	vm0 =	vgt.s32 v12, v6;
	(pc) =	sbr.rel @p1 .LBB2_32-.Ltmp20, $4  }
0x14a: {  	v12 =	vld [tilespmem:s28+$0xFFFFFFE0];
	v14 =	vsel vm0, $0x1, v0;
	vm0 =	vgt.s32 v11, v6  }
0x14b: {  	v11 =	vld [tilespmem:s28+$0xFFFFFFF0];
	v13 =	vadd.s32 v14, v13;
	v14 =	vsel vm0, $0x1, v0;
	vm0 =	vgt.s32 v10, v6  }
0x14c: {  	v10 =	vld [tilespmem:s28+$0x0];
	v13 =	vadd.s32 v14, v13;
	v14 =	vsel vm0, $0x1, v0;
	vm0 =	vgt.s32 v9, v6  }
0x14d: {  	v9 =	vld [tilespmem:s28+$0x10];
	v13 =	vadd.s32 v14, v13;
	v14 =	vsel vm0, $0x1, v0  }
.LBB2_33:
0x14e: {  	_ = 	snop  }
0x14f: {  	v13 =	vadd.s32 @p0 v14, v13;
	vm0 =	vgt.s32 v12, v6  }
0x150: {  	v8 =	vpsel p0, v13, v8;
	v12 =	vsel vm0, $0x1, v0;
	vm13 =	vgt.s32 v11, v6  }
0x151: {  	v8 =	vadd.s32 v12, v8;
	v11 =	vsel vm13, $0x1, v0;
	vm14 =	vgt.s32 v10, v6  }
0x152: {  	v8 =	vadd.s32 v11, v8;
	v10 =	vsel vm14, $0x1, v0;
	vm15 =	vgt.s32 v9, v6  }
0x153: {  	v8 =	vadd.s32 v10, v8;
	v9 =	vsel vm15, $0x1, v0  }
0x154: {  	v8 =	vadd.s32 v9, v8  }
.LBB2_21:
0x155: {  	(xrf0) =	vadd.scan.msk.s32 $0xffff, v8;
	_ =	sdelay $0x5  }
0x156: {  	v8, _, _ =	vpop (xrf0)  }
0x157: {  	(v2sf) =	vpush v8, $0xF;
	_ =	sdelay $0x2  }
0x158: {  	s25 =	sadd.s32 $0x8000000F, s25  }
0x159: {  	s26 =	sand.u32 $0xF, s25  }
0x15a: {  	s28 =	sshra.s32 s25, $0x1F;
	p0 =	slt.s32 s25, $0x0;
	p1 =	sne.s32 s26, $0x0  }
0x15b: {  	s31 =	sshrl.u32 s28, $0x1C;
	p0 =	por !p0, !p1  }
0x15c: {  	s26 =	simm.s32 $0x1;
	s25 =	sadd.s32 s31, s25;
	p0 =	por !p0, !p0  }
0x15d: {  	s25 =	sshra.s32 s25, $0x4;
	s26 =	simm.s32 @!p0 $0x0  }
0x15e: {  	s28 =	ssub.s32 s25, s26  }
0x15f: {  	p0 =	sgt.s32 s28, $0x0  }
.Ltmp21:
0x160: {  	_ = 	snop;
	(pc) =	sbr.rel @!p0 .LBB2_45-.Ltmp21, $2  }
0x161: {  	_ =	sdelay $0x2  }
0x162: {  	s25 =	spop (v2sf)  }
0x163: {  	p4 =	seq.s32 s28, $0x1  }
.Ltmp22:
0x164: {  	_ = 	snop;
	(pc) =	sbr.rel @p4 .LBB2_23-.Ltmp22, $4  }
0x165: {  	_ = 	snop  }
0x166: {  	v8 =	vmul.u32 $0xFFFFFFFF, v1;
	s25 =	ssub.s32 $0x40, s25;
	s29 =	simm.s32 $0x10080;
	s26 =	simm.s32 $0x0  }
0x167: {  	s28 =	sadd.s32 $0xFFFFFFFF, s28;
	p0 =	por $0x0, $0x0;
	p1 =	por $0x0, $0x0  }
0x168: {  	p2 =	por $0x0, $0x0;
	p3 =	por $0x0, $0x0;
	v9 =	vmov s25;
	s25 =	simm.s32 $0x8000;
	v11 =	vld [tilespmem:s29+$0x0];
	v10 =	vadd.s32 v8, v7;
	v7 =	vimm.s32 $0x0  }
0x169: {  	_ =	sdelay $0x1  }
0x16a: {  	p4 =	seq.s32 s28, $0x1  }
.Ltmp23:
0x16b: {  	v8 =	vmov s26;
	(pc) =	sbr.rel @p4 .LBB2_35-.Ltmp23, $4  }
0x16c: {  	vm0 =	vlt.s32 v8, v10;
	vm1 =	veq.s32 v11, v6  }
0x16d: {  	vm2 =	vmand vm0, vm1  }
0x16e: {  	s29 =	simm.s32 $0x10090;
	v8 =	vsel vm2, $0x1, v0  }
0x16f: {  	p0 =	por $0x1, $0x1;
	v12 =	vld [tilespmem:s29+$0x0];
	s29 =	sadd.s32 $0xFFFFFFFF, s28;
	vm1 =	vmmov vm0;
	(xrf0) =	vadd.scan.msk.s32 $0xffff, v8  }
0x170: {  	_ = 	snop  }
0x171: {  	s28 =	simm.s32 $0x10  }
0x172: {  	v8 =	vmov s28;
	_ =	sdelay $0x2  }
0x173: {  	p4 =	seq.s32 s29, $0x1;
	vm0 =	vlt.s32 v8, v10;
	v8, _, _ =	vpop (xrf0)  }
.Ltmp24:
0x174: {  	s30 =	simm.s32 $0x100A0;
	vm3 =	veq.s32 v12, v6;
	v8 =	vadd.s32 v7, v8;
	(pc) =	sbr.rel @p4 .LBB2_37-.Ltmp24, $3  }
0x175: {  	vm5 =	vmand vm0, vm3;
	vm3 =	vle.s32 v8, v9;
	v8 =	vld [tilespmem:s30+$0x0];
	_ =	sdelay $0x1  }
0x176: {  	vm7 =	vmmov vm2;
	vm2 =	vgt.s32 v11, v6;
	v13 =	vsel vm5, $0x1, v0  }
0x177: {  	s29 =	sadd.s32 $0xFFFFFFFF, s29;
	p1 =	por $0x1, $0x1;
	vm9 =	vmand vm1, vm2;
	vm1 =	vmmov vm0;
	(xrf0) =	vadd.scan.msk.s32 $0xffff, v13;
	vm10 =	vmand vm7, vm3  }
0x178: {  	_ =	sdelay $0x2  }
0x179: {  	s28 =	simm.s32 $0x20;
	v14 =	vmpcnt.ones.xlane vm7;
	vm0 =	vmor vm9, vm10;
	p4 =	seq.s32 s29, $0x1  }
.Ltmp25:
0x17a: {  	vm6 =	vmmov vm5;
	s30 =	simm.s32 $0x100B0;
	v13 =	vmov s28;
	vm2 =	veq.s32 v8, v6;
	(pc) =	sbr.rel @p4 .LBB2_39-.Ltmp25, $4  }
0x17b: {  	vm3 =	vmmov vm0;
	v20 =	vld [tilespmem:s30+$0x0];
	vm7 =	vlt.s32 v13, v10;
	v15 =	vadd.s32 v7, v14;
	v16, _, _ =	vpop (xrf0)  }
0x17c: {  	v13 =	vsel vm0, $0x1, v0;
	vm11 =	vmand vm7, vm2;
	v14 =	vadd.s32 v15, v16  }
0x17d: {  	vm2 =	vgt.s32 v12, v6;
	(xrf0) =	vadd.scan.msk.s32 $0xffff, v13;
	v13 =	vsel vm11, $0x1, v0;
	vm4 =	vle.s32 v14, v9  }
0x17e: {  	s29 =	sadd.s32 $0xFFFFFFFF, s29;
	p2 =	por $0x1, $0x1;
	vm2 =	vmand vm1, vm2;
	vm1 =	vmmov vm7;
	(xrf0) =	vadd.scan.msk.s32 $0xffff, v13;
	vm4 =	vmand vm6, vm4  }
0x17f: {  	_ =	sdelay $0x2  }
0x180: {  	s28 =	simm.s32 $0x30  }
0x181: {  	vm5 =	vmor vm2, vm4;
	vm0 =	vmmov vm3;
	v16 =	vmov s28;
	v13, _, _ =	vpop (xrf0)  }
0x182: {  	v17 =	vmpcnt.ones.xlane vm6;
	v14 =	vsel vm5, $0x1, v0;
	v13 =	vadd.s32 v13, v7  }
0x183: {  	v18 =	vld [tilespmem:s25+$0x0];
	p4 =	seq.s32 s29, $0x1;
	vm7 =	veq.s32 v20, v6;
	vm12 =	vlt.s32 v16, v10;
	(xrf0) =	vadd.scan.msk.s32 $0xffff, v14;
	v13 =	vadd.s32 $0xFFFFFFFF, v13  }
.Ltmp26:
0x184: {  	vm8 =	vmmov vm5;
	v15 =	vadd.s32 v15, v17;
	vm5 =	vmand vm12, vm7;
	v16, _, _ =	vpop (xrf0);
	(pc) =	sbr.rel @p4 .LBB2_41-.Ltmp26, $4  }
0x185: {  	v14 =	vsel vm5, $0x1, v0;
	v16 =	vadd.s32 v15, v16  }
0x186: {  	vm9 =	vgt.s32 v8, v6;
	s30 =	simm.s32 $0x100C0;
	v19 =	vmpcnt.ones.xlane vm0  }
0x187: {  	vm9 =	vmand vm1, vm9;
	v22 =	vld [tilespmem:s30+$0x0];
	vm7 =	vmmov vm11;
	(xrf0) =	vadd.scan.msk.s32 $0xffff, v14;
	vm10 =	vle.s32 v16, v9  }
0x188: {  	s31 =	sadd.s32 $0xFFFFFFFF, s29;
	p3 =	por $0x1, $0x1;
	s29 =	simm.s32 $0x8000;
	v17 =	vimm.s32 $0x0;
	vm1 =	vmmov vm12;
	v14 =	vmovc v11;
	vm10 =	vmand vm7, vm10;
	v16 =	vmovc v12;
	[tilespmem:v13+s15+$0x0] =	vst.idx.msk vm3, v18  }
.LBB2_42:
0x189: {  	p4 =	seq.s32 s31, $0x1;
	vm9 =	vmor vm9, vm10;
	v18, _, _ =	vpop (xrf0);
	[tilespmem:v13+s16+$0x0] =	vst.idx.msk vm0, v14;
	v17 =	vadd.s32 v17, v19;
	v14 =	vmov v16  }
0x18a: {  	s28 =	sadd.s32 $0x10, s28;
	s29 =	sadd.s32 $0x10, s29;
	v16 =	vmovc v8;
	v8 =	vmovc v20;
	vm0 =	vmmov vm8;
	v13 =	vsel vm9, $0x1, v0;
	v18 =	vadd.s32 v18, v17  }
0x18b: {  	v21 =	vmpcnt.ones.xlane vm7;
	v19 =	vmov s28;
	(xrf0) =	vadd.scan.msk.s32 $0xffff, v13;
	v23 =	vld [tilespmem:s29+$0x0];
	v13 =	vadd.s32 $0xFFFFFFFF, v18  }
.Ltmp27:
0x18c: {  	vm8 =	vmmov vm9;
	vm11 =	vlt.s32 v19, v10;
	vm10 =	veq.s32 v22, v6;
	v20 =	vmovc v22;
	(pc) =	sbr.rel @!p4 .LBB2_42-.Ltmp27, $4  }
0x18d: {  	vm7 =	vmmov vm5;
	v15 =	vadd.s32 v15, v21;
	v18, _, _ =	vpop (xrf0);
	vm5 =	vmand vm11, vm10  }
0x18e: {  	s30 =	sadd.s32 $0x10, s30;
	v19 =	vsel vm5, $0x1, v0;
	v18 =	vadd.s32 v15, v18  }
0x18f: {  	vm9 =	vgt.s32 v8, v6;
	v22 =	vld [tilespmem:s30+$0x0];
	(xrf0) =	vadd.scan.msk.s32 $0xffff, v19;
	vm10 =	vle.s32 v18, v9;
	v19 =	vmpcnt.ones.xlane vm0  }
0x190: {  	s31 =	sadd.s32 $0xFFFFFFFF, s31;
	vm9 =	vmand vm1, vm9;
	vm1 =	vmmov vm11;
	vm10 =	vmand vm7, vm10;
	[tilespmem:v13+s15+$0x0] =	vst.idx.msk vm0, v23  }
0x191: {  	_ =	sdelay $0x2  }
0x192: {  	v18 =	vmov v8;
	v21 =	vmov v20;
	v8 =	vmov v22  }
.LBB2_44:
0x193: {  	s28 =	sadd.s32 @p0 $0x10, s28  }
0x194: {  	vm11 =	vmor @p1 vm9, vm10;
	vm14 =	veq.s32 v8, v6;
	s26 =	smov.u32 @p0 s28  }
0x195: {  	vm5 =	vmmov @p0 vm5;
	v17 =	vadd.s32 @p3 v17, v19;
	v20 =	vmov s26  }
0x196: {  	vm13 =	vlt.s32 v20, v10;
	v10 =	vsel @p1 vm11, $0x1, v0;
	v20 =	vmpcnt.ones.xlane @p1 vm7  }
0x197: {  	v19 =	vmovc @p0 v21;
	v16 =	vpsel p2, v16, v0;
	vm6 =	vmmov @p0 vm5;
	vm9 =	vmand vm13, vm14  }
0x198: {  	v17 =	vpsel p3, v17, v7;
	v12 =	vpsel p0, v19, v12;
	(xrf0) =	vadd.scan.msk.s32 @p1 $0xffff, v10;
	v59 =	vsel vm9, $0x1, v0  }
0x199: {  	v21 =	vmpcnt.ones.xlane @p0 vm6;
	vm7 =	vgt.s32 @p0 v19, v6;
	v15 =	vadd.s32 @p1 v15, v20;
	(xrf0) =	vadd.scan.msk.s32 $0xffff, v59;
	v10, _, _ =	vpop @p2 (xrf0)  }
0x19a: {  	vm6 =	vmand @p0 vm1, vm7;
	vm1 =	vmmov @p2 vm8;
	v15 =	vpsel p1, v15, v7;
	v20, _, _ =	vpop @p0 (xrf0)  }
0x19b: {  	vm15 =	vmmov vm13;
	vm14 =	vgt.s32 v8, v6;
	v20 =	vadd.s32 @p0 v15, v20  }
0x19c: {  	vm2 =	vmmov @p0 vm6;
	vm13 =	vmmov vm9;
	v10 =	vadd.s32 @p2 v10, v17  }
0x19d: {  	v15 =	vadd.s32 @p0 v15, v21;
	v21 =	vmpcnt.ones.xlane @p2 vm1;
	vm7 =	vle.s32 @p0 v20, v9  }
0x19e: {  	v10 =	vadd.s32 @p2 $0xFFFFFFFF, v10;
	v15 =	vpsel p0, v15, v7;
	vm5 =	vmand @p0 vm5, vm7;
	v20, _, _ =	vpop @p1 (xrf0)  }
0x19f: {  	vm7 =	vmmov @p1 vm11;
	v6 =	vpsel p2, v21, v0;
	vm4 =	vmmov @p0 vm5;
	v60, _, _ =	vpop (xrf0)  }
0x1a0: {  	vm5 =	vmmov @p2 vm1;
	vm10 =	vmor @p0 vm2, vm4;
	v15 =	vadd.s32 v15, v60  }
0x1a1: {  	vm3 =	vmmov @p1 vm7;
	vm12 =	vle.s32 v15, v9;
	v15 =	vsel @p0 vm10, $0x1, v0  }
0x1a2: {  	s28 =	simm.s32 $0x8000;
	s26 =	sadd.s32 @p3 $0x10, s29;
	v6 =	vadd.s32 @p2 v17, v6;
	vm4 =	vmand vm15, vm14;
	vm6 =	vmand vm13, vm12  }
0x1a3: {  	s28 =	smov.u32 @p3 s26;
	vm2 =	vmmov @p1 vm3;
	vm3 =	vmmov @p0 vm10;
	(xrf0) =	vadd.scan.msk.s32 @p0 $0xffff, v15;
	vm4 =	vmor vm4, vm6  }
0x1a4: {  	v17 =	vld @p2 [tilespmem:s28+$0x0];
	vm3 =	vmmov @p0 vm3;
	v15 =	vmovc @p1 v18;
	v18 =	vmpcnt.ones.xlane @p1 vm2;
	v61 =	vsel vm4, $0x1, v0  }
0x1a5: {  	v6 =	vpsel p2, v6, v7;
	v9 =	vpsel p2, v10, v0;
	vm3 =	vmmov @p0 vm3;
	(xrf0) =	vadd.scan.msk.s32 $0xffff, v61  }
0x1a6: {  	vm15 =	vmmov vm4;
	v11 =	vpsel p1, v15, v11;
	v15 =	vpsel p1, v18, v0  }
0x1a7: {  	s26 =	sadd.s32 @p2 $0x10, s28;
	s28 =	simm.s32 $0x8000;
	v18 =	vadd.s32 @p1 v20, v6;
	v6 =	vadd.s32 @p1 v6, v15;
	v15 =	vmpcnt.ones.xlane @p0 vm3  }
0x1a8: {  	[tilespmem:v13+s16+$0x0] =	vst.idx.msk @p3 vm0, v14;
	s28 =	smov.u32 @p2 s26;
	vm6 =	vmmov @p1 vm2;
	vm4 =	vmmov @p0 vm3;
	vm0 =	vmmov vm15  }
0x1a9: {  	s26 =	sadd.s32 @p1 $0x10, s28;
	[tilespmem:v10+s15+$0x0] =	vst.idx.msk @p2 vm1, v17;
	v20 =	vld @p1 [tilespmem:s28+$0x0];
	s28 =	simm.s32 $0x8000;
	v18 =	vadd.s32 @p1 $0xFFFFFFFF, v18;
	v19, _, _ =	vpop @p0 (xrf0);
	v6 =	vpsel p1, v6, v7;
	v15 =	vpsel p0, v15, v0  }
0x1aa: {  	s28 =	smov.u32 @p1 s26;
	v21 =	vpsel p1, v18, v0;
	v19 =	vadd.s32 @p0 v19, v6;
	v6 =	vadd.s32 @p0 v6, v15  }
0x1ab: {  	[tilespmem:v9+s16+$0x0] =	vst.idx.msk @p2 vm5, v16;
	v9 =	vmov @p1 v11;
	v13 =	vld @p0 [tilespmem:s28+$0x0];
	s26 =	sadd.s32 @p0 $0x10, s28;
	v19 =	vadd.s32 @p0 $0xFFFFFFFF, v19;
	v62, _, _ =	vpop (xrf0);
	v6 =	vpsel p0, v6, v7  }
0x1ac: {  	v9 =	vpsel p1, v9, v0;
	s25 =	smov.u32 @p0 s26;
	v7 =	vpsel p0, v19, v0;
	v6 =	vadd.s32 v62, v6  }
0x1ad: {  	v10 =	vmov @p0 v12;
	v63 =	vld [tilespmem:s25+$0x0];
	v6 =	vadd.s32 $0xFFFFFFFF, v6  }
0x1ae: {  	v10 =	vpsel p0, v10, v0;
	[tilespmem:v18+s15+$0x0] =	vst.idx.msk @p1 vm2, v20  }
0x1af: {  	[tilespmem:v21+s16+$0x0] =	vst.idx.msk @p1 vm6, v9;
	v9 =	vmov @p0 v10  }
0x1b0: {  	v9 =	vpsel p0, v9, v0;
	[tilespmem:v19+s15+$0x0] =	vst.idx.msk @p0 vm3, v13  }
0x1b1: {  	[tilespmem:v7+s16+$0x0] =	vst.idx.msk @p0 vm4, v9  }
0x1b2: {  	[tilespmem:v6+s15+$0x0] =	vst.idx.msk vm0, v63  }
0x1b3: {  	[tilespmem:v6+s16+$0x0] =	vst.idx.msk vm0, v8  }
.LBB2_45:
0x1b4: {  	v18 =	vld [tilespmem:$0x18100]  }
0x1b5: {  	v19 =	vld [tilespmem:$0x18110]  }
0x1b6: {  	v14 =	vld [tilespmem:$0x18120]  }
0x1b7: {  	v15 =	vld [tilespmem:$0x18130];
	_ =	sdelay $0x2  }
0x1b8: {  	v20 =	vld [tilespmem:$0x18180];
	v11 =	vimm.s32 $0x0;
	v12 =	vimm.s32 $0x0;
	v9 =	vimm.s32 $0x0  }
0x1b9: {  	v16 =	vld [tilespmem:$0x18190];
	v7 =	vimm.s32 $0x0;
	v13 =	vimm.s32 $0x0;
	v10 =	vimm.s32 $0x0  }
0x1ba: {  	v17 =	vld [tilespmem:$0x181A0];
	v8 =	vimm.s32 $0x0;
	vm0 =	vgt.s32 v18, v19;
	vm1 =	vgt.s32 v14, v15  }
0x1bb: {  	s25 =	simm.s32 $0x0;
	v21 =	vld [tilespmem:$0x181B0];
	s26 =	simm.s32 $0x1;
	v6 =	vimm.s32 $0x0;
	v22 =	vsel vm0, v18, v19;
	v23 =	vsel vm1, v14, v15  }
.LBB2_46:
0x1bc: {  	p0 =	sne.s32 s26, $0x3F;
	vm0 =	vgt.s32 v22, v23  }
0x1bd: {  	v22 =	vsel vm0, v22, v23  }
0x1be: {  	v22 =	vxor.u32 $0x80000000, v22  }
0x1bf: {  	(xrf0) =	vmax.scan.msk.u32 $0xffff, v22;
	_ =	sdelay $0x5  }
0x1c0: {  	v22, _, _ =	vpop (xrf0)  }
0x1c1: {  	(v2sf) =	vpush v22, $0xF;
	_ =	sdelay $0xd  }
0x1c2: {  	v22 =	vmov s25;
	s25 =	smov.u32 s26  }
0x1c3: {  	vm0 =	veq.s32 v22, v1;
	s28 =	spop (v2sf)  }
0x1c4: {  	vm4 =	veq.s32 v22, v5;
	vm1 =	veq.s32 v22, v4;
	vm2 =	veq.s32 v22, v3;
	s28 =	sxor.u32 $0x80000000, s28  }
0x1c5: {  	vm3 =	veq.s32 v18, s28;
	vm5 =	veq.s32 v19, s28;
	v11 =	vsel vm0, s28, v11  }
0x1c6: {  	vm6 =	veq.s32 v14, s28;
	vm7 =	veq.s32 v15, s28;
	v22 =	vnsel vm3, $0x8000, v20  }
0x1c7: {  	v23 =	vnsel vm5, $0x8000, v16;
	v24 =	vnsel vm6, $0x8000, v17;
	v25 =	vnsel vm7, $0x8000, v21  }
0x1c8: {  	v12 =	vsel vm4, s28, v12;
	vm8 =	vlt.s32 v22, v23;
	vm9 =	vlt.s32 v24, v25  }
0x1c9: {  	v9 =	vsel vm1, s28, v9;
	v22 =	vsel vm8, v22, v23;
	v23 =	vsel vm9, v24, v25  }
0x1ca: {  	v7 =	vsel vm2, s28, v7;
	vm8 =	vlt.s32 v22, v23  }
0x1cb: {  	v22 =	vsel vm8, v22, v23  }
0x1cc: {  	v22 =	vxor.u32 $0x80000000, v22  }
0x1cd: {  	(xrf0) =	vmin.scan.msk.u32 $0xffff, v22;
	_ =	sdelay $0x5  }
0x1ce: {  	v22, _, _ =	vpop (xrf0)  }
0x1cf: {  	(v2sf) =	vpush v22, $0xF;
	_ =	sdelay $0xe  }
0x1d0: {  	s28 =	spop (v2sf)  }
0x1d1: {  	s28 =	sxor.u32 $0x80000000, s28  }
0x1d2: {  	vm8 =	veq.s32 v16, s28;
	vm9 =	veq.s32 v17, s28;
	vm10 =	veq.s32 v21, s28  }
0x1d3: {  	vm5 =	vmand vm5, vm8;
	vm6 =	vmand vm6, vm9;
	vm7 =	vmand vm7, vm10  }
0x1d4: {  	v19 =	vsel vm5, $0x80000000, v19;
	v14 =	vsel vm6, $0x80000000, v14;
	v15 =	vsel vm7, $0x80000000, v15  }
.Ltmp28:
0x1d5: {  	v13 =	vsel vm0, s28, v13;
	v10 =	vsel vm4, s28, v10;
	vm0 =	veq.s32 v20, s28;
	(pc) =	sbr.rel @p0 .LBB2_46-.Ltmp28, $4  }
0x1d6: {  	v8 =	vsel vm1, s28, v8;
	v6 =	vsel vm2, s28, v6;
	vm0 =	vmand vm3, vm0  }
0x1d7: {  	v18 =	vsel vm0, $0x80000000, v18  }
0x1d8: {  	vm0 =	vgt.s32 v18, v19;
	vm1 =	vgt.s32 v14, v15  }
0x1d9: {  	s26 =	sadd.s32 $0x1, s26;
	v22 =	vsel vm0, v18, v19;
	v23 =	vsel vm1, v14, v15  }
0x1da: {  	vm0 =	vgt.s32 v22, v23  }
0x1db: {  	v22 =	vsel vm0, v22, v23  }
0x1dc: {  	v22 =	vxor.u32 $0x80000000, v22  }
0x1dd: {  	(xrf0) =	vmax.scan.msk.u32 $0xffff, v22;
	_ =	sdelay $0x5  }
0x1de: {  	v22, _, _ =	vpop (xrf0)  }
0x1df: {  	(v2sf) =	vpush v22, $0xF;
	_ =	sdelay $0xe  }
0x1e0: {  	s26 =	spop (v2sf)  }
0x1e1: {  	s26 =	sxor.u32 $0x80000000, s26  }
0x1e2: {  	vm5 =	veq.s32 v18, s26;
	vm1 =	veq.s32 v19, s26  }
0x1e3: {  	vm6 =	veq.s32 v14, s26;
	vm2 =	veq.s32 v15, s26;
	v18 =	vnsel vm5, $0x8000, v20  }
0x1e4: {  	v52 =	vnsel vm1, $0x8000, v16;
	v53 =	vnsel vm6, $0x8000, v17;
	v54 =	vnsel vm2, $0x8000, v21  }
0x1e5: {  	vm7 =	vlt.s32 v18, v52;
	vm8 =	vlt.s32 v53, v54  }
0x1e6: {  	v14 =	vsel vm7, v18, v52;
	v15 =	vsel vm8, v53, v54  }
0x1e7: {  	vm0 =	vlt.s32 v14, v15  }
0x1e8: {  	v14 =	vsel vm0, v14, v15  }
0x1e9: {  	v14 =	vxor.u32 $0x80000000, v14  }
0x1ea: {  	(xrf0) =	vmin.scan.msk.u32 $0xffff, v14;
	_ =	sdelay $0x5  }
0x1eb: {  	v14, _, _ =	vpop (xrf0)  }
0x1ec: {  	(v2sf) =	vpush v14, $0xF;
	_ =	sdelay $0x7  }
0x1ed: {  	v55 =	vmov s25  }
0x1ee: {  	vm9 =	veq.s32 v55, v1  }
0x1ef: {  	vm10 =	veq.s32 v55, v5;
	vm3 =	veq.s32 v55, v4;
	vm13 =	veq.s32 v55, v3  }
0x1f0: {  	v11 =	vsel vm9, s26, v11;
	v57 =	vsel vm10, s26, v12;
	v3 =	vsel vm3, s26, v9  }
0x1f1: {  	v7 =	vsel vm13, s26, v7;
	vm11 =	vlt.s32 v11, $0x0;
	v56 =	vxor.u32 $0x7FFFFFFF, v11  }
0x1f2: {  	vm14 =	vlt.s32 v3, $0x0;
	v61 =	vxor.u32 $0x7FFFFFFF, v3;
	v5 =	vsel vm11, v56, v11  }
0x1f3: {  	vm12 =	vlt.s32 v57, $0x0;
	v59 =	vxor.u32 $0x7FFFFFFF, v57;
	v3 =	vsel vm14, v61, v3;
	[tilespmem:$0x18280] =	vst v5  }
0x1f4: {  	vm15 =	vlt.s32 v7, $0x0;
	v4 =	vsel vm12, v59, v57;
	[tilespmem:$0x182A0] =	vst v3;
	v3 =	vxor.u32 $0x7FFFFFFF, v7;
	s31 =	spop (v2sf)  }
0x1f5: {  	[tilespmem:$0x18290] =	vst v4;
	v3 =	vsel vm15, v3, v7;
	s25 =	sxor.u32 $0x80000000, s31  }
0x1f6: {  	[tilespmem:$0x182B0] =	vst v3;
	v58 =	vsel vm9, s25, v13  }
0x1f7: {  	s22 =	sshll.u32 s22, $0x4;
	v60 =	vsel vm10, s25, v10;
	[tilespmem:$0x18200] =	vst v58  }
0x1f8: {  	s22 =	sand.u32 $0x3F80, s22;
	v62 =	vsel vm3, s25, v8;
	[tilespmem:$0x18210] =	vst v60  }
0x1f9: {  	s22 =	sor.u32 s24, s22;
	v63 =	vsel vm13, s25, v6;
	[tilespmem:$0x18220] =	vst v62  }
0x1fa: {  	s24 =	sadd.s32 s5, s22;
	[tilespmem:$0x18230] =	vst v63  }
0x1fb: {  	[hbm4b:s24+s3] =	stream.linear.scatter [tilespmem:s17], [sflag:$0x2], $0x80, $0x38;
	[tilespmem:$0x18300] =	vst v63  }
0x1fc: {  	_ =	swait.ge [sflag:s18], $0x80  }
0x1fd: {  	s21 =	sadd.s32 $0x1, s21;
	[sflag:s18] =	ssyncset.done $0x0  }
0x1fe: {  	p1 =	sne.s32 s21, $0x20;
	s22 =	sadd.s32 s6, s22;
	[sflag:s18] =	ssyncadd.s32 $0xFFFFFF80  }
0x1ff: {  	[hbm4b:s22+s3] =	stream.linear.scatter [tilespmem:s19], [sflag:$0x2], $0x80, $0x38;
	[tilespmem:$0x18300] =	vst v63  }
.Ltmp29:
0x200: {  	_ = 	snop;
	(pc) =	sbr.rel @p1 .LBB2_4-.Ltmp29, $4  }
.Ltmp30:
0x201: {  	_ = 	snop;
	(pc) =	sbr.rel @!p1 .LBB2_48-.Ltmp30, $4  }
0x202: {  	s24 =	sadd.s32 $0xFFC00000, s23;
	_ =	swait.ge [sflag:s18], $0x80  }
0x203: {  	p0 =	sge.s32 s24, s23;
	[sflag:s18] =	ssyncset.done $0x0  }
0x204: {  	s24 =	simm.s32 @p0 $0x80000000;
	[sflag:s18] =	ssyncadd.s32 $0xFFFFFF80  }
0x205: {  	_ = 	snop  }
.LBB2_10:
.Ltmp31:
0x206: {  	(pc) =	sbr.rel .LBB2_15-.Ltmp31, $2  }
0x207: {  	_ =	sdelay $0x2  }
0x208: {  	s24 =	simm.s32 $0x100A0  }
.LBB2_30:
.Ltmp32:
0x209: {  	(pc) =	sbr.rel .LBB2_33-.Ltmp32, $2  }
0x20a: {  	_ =	sdelay $0x2  }
0x20b: {  	_ = 	snop  }
.LBB2_23:
.Ltmp33:
0x20c: {  	_ = 	snop;
	(pc) =	sbr.rel .LBB2_44-.Ltmp33, $2  }
0x20d: {  	_ =	sdelay $0x2  }
0x20e: {  	v17 =	vimm.s32 $0x0;
	s28 =	simm.s32 $0x0;
	s29 =	simm.s32 $0x8000;
	v15 =	vimm.s32 $0x0;
	v8 =	vmov v11  }
.LBB2_12:
.Ltmp34:
0x20f: {  	(pc) =	sbr.rel .LBB2_15-.Ltmp34, $2  }
0x210: {  	_ =	sdelay $0x2  }
0x211: {  	s24 =	simm.s32 $0x100A0;
	v19 =	vmov v16;
	v18 =	vmov v15;
	v17 =	vmov v14  }
.LBB2_35:
.Ltmp35:
0x212: {  	_ = 	snop;
	(pc) =	sbr.rel .LBB2_44-.Ltmp35, $2  }
0x213: {  	_ =	sdelay $0x2  }
0x214: {  	v21 =	vmovc v11;
	v17 =	vimm.s32 $0x0;
	s28 =	simm.s32 $0x0;
	s29 =	simm.s32 $0x8000;
	v15 =	vimm.s32 $0x0;
	vm5 =	vmmov vm2;
	v8 =	vmovc v12  }
.LBB2_37:
.Ltmp36:
0x215: {  	(pc) =	sbr.rel .LBB2_44-.Ltmp36, $2  }
0x216: {  	_ =	sdelay $0x2  }
0x217: {  	v18 =	vmovc v11;
	v21 =	vmov v12;
	v17 =	vimm.s32 $0x0;
	s29 =	simm.s32 $0x8000;
	v15 =	vimm.s32 $0x0  }
.LBB2_39:
.Ltmp37:
0x218: {  	(pc) =	sbr.rel .LBB2_44-.Ltmp37, $3  }
0x219: {  	_ =	sdelay $0x1  }
0x21a: {  	v21 =	vmovc v8;
	vm9 =	vmmov vm2;
	vm10 =	vmmov vm4;
	v17 =	vimm.s32 $0x0;
	v16 =	vmovc v11  }
0x21b: {  	s29 =	simm.s32 $0x8000;
	v18 =	vmovc v12;
	vm8 =	vmmov vm3;
	vm7 =	vmmov vm6;
	vm5 =	vmmov vm11;
	v8 =	vmovc v20  }
.LBB2_41:
.Ltmp38:
0x21c: {  	(pc) =	sbr.rel .LBB2_44-.Ltmp38, $3  }
0x21d: {  	_ =	sdelay $0x1  }
0x21e: {  	v18 =	vmov v8  }
0x21f: {  	v14 =	vmovc v11;
	v17 =	vimm.s32 $0x0;
	v16 =	vmovc v12;
	s29 =	simm.s32 $0x8000;
	v21 =	vmov v20;
	v8 =	vmov v22  }
.LBB2_49:
0x220: {  	_ =	sfence.sel $0x180000  }
0x221: {  	[bflag:$0x0] =	sbarrier.arrive $0xFFFF  }
0x222: {  	p0 =	sne.s32 s2, $0x0;
	_ =	strace $0x90000047  }
0x223: {  	s0 =	sadd.s32 @!p0 $0x100000, s0;
	[bflag:$0x2] =	sbarrier.arrive $0xFFFF  }
0x224: {  	[sflag:s0] =	ssyncadd.tile.s32 @!p0 $0x1;
	_ =	shalt  }
.Lfunc_end2:
_tile_overlayer_lowered:
.L_overlay_start_2:
0x225: {  	(tag) =	ssettag $0x2  }
0x226: {  	s0 =	rddreg [dreg:$0x0];
	s2 =	stileid.u32  }
0x227: {  	s1 =	rddreg [dreg:$0x1];
	p0 =	sne.s32 s2, $0x0  }
0x228: {  	s3 =	rddreg [dreg:$0x2];
	[bflag:$0x3] =	sbarrier.arrive $0xFFFF;
	s2 =	simm.s32 @!p0 $0x1C02  }
0x229: {  	[timem:s3], [sflag:s2] =	dma.local @!p0 [hbm:s0], s1  }
0x22a: {  	s0 =	simm.s32 @!p0 $0x2  }
0x22b: {  	_ =	swait.ge @!p0 [sflag:s0], s1  }
0x22c: {  	s1 =	ssub.s32 @!p0 $0x0, s1;
	[sflag:s0] =	ssyncset.done @!p0 $0x0  }
0x22d: {  	[sflag:s0] =	ssyncadd.s32 @!p0 s1  }
0x22e: {  	[bflag:$0x3] =	sbarrier.arrive $0xFFFF  }
0x22f: {  	_ =	shalt  }

</sc_bundles>
